<compile_context>
chip_gen: v7x
topology: tpu7x:2x2x1
jax: 0.10.2.dev20260603
libtpu: 0.0.44.dev20260713+nightly
codegen_flags: <defaults>
</compile_context>

<pallas_src>
import functools

import jax
import jax.numpy as jnp
from jax import lax
from jax.experimental import pallas as pl
from jax.experimental.pallas import tpu as pltpu
from jax.experimental.pallas import tpu_sc as plsc

B, N1, N2 = 16, 2048, 512
C1, C2 = 64, 128
K = 8
QT = 2048


def _precompute_h_kernel(feat2_ref, xyz2_ref, wf_ref, wx_ref, b_ref, h_ref):
    f2 = feat2_ref[0]
    x2 = xyz2_ref[0]
    h = jnp.dot(f2, wf_ref[...], preferred_element_type=jnp.float32)
    h = h + jnp.dot(x2, wx_ref[...], preferred_element_type=jnp.float32)
    h_ref[0] = h + b_ref[...]


def _knn_kernel(xyz1_ref, xyz2t_ref, idx_ref):
    b = pl.program_id(0)
    x1 = xyz1_ref[0]
    x2t = xyz2t_ref[0]
    d = None
    for c in range(3):
        dc = x1[:, c:c + 1] - x2t[c:c + 1, :]
        dc = dc * dc
        d = dc if d is None else d + dc
    lane = jax.lax.broadcasted_iota(jnp.int32, (QT, N2), 1)
    for t in range(K):
        jidx = jnp.argmin(d, axis=1)[:, None]
        sel = lane == jidx
        d = jnp.where(sel, jnp.float32(3e38), d)
        idx_ref[0, :, t] = jidx[:, 0] + b * N2


def _mlp_kernel(g_ref, xyz1_ref, feat1_ref,
                wx_ref, w11_ref, b11_ref, w12_ref, b12_ref,
                w2a_ref, w2b_ref, b2_ref, out_ref):
    x1 = xyz1_ref[0]
    qoff = jnp.dot(x1, wx_ref[...], preferred_element_type=jnp.float32)
    pooled = None
    for t in range(K):
        l1 = g_ref[0, :, t, :64]
        l1 = jnp.maximum(l1 - qoff, 0.0)
        l2 = jnp.dot(l1, w11_ref[...], preferred_element_type=jnp.float32) + b11_ref[...]
        l2 = jnp.maximum(l2, 0.0)
        l3 = jnp.dot(l2, w12_ref[...], preferred_element_type=jnp.float32) + b12_ref[...]
        l3 = jnp.maximum(l3, 0.0)
        pooled = l3 if pooled is None else jnp.maximum(pooled, l3)
    out = jnp.dot(pooled, w2a_ref[...], preferred_element_type=jnp.float32)
    out = out + jnp.dot(feat1_ref[0], w2b_ref[...], preferred_element_type=jnp.float32)
    out = out + b2_ref[...]
    out_ref[0] = jnp.maximum(out, 0.0)


def _sc_gather(table, idx):
    R = idx.shape[0]
    info = plsc.get_sparse_core_info()
    NW = info.num_cores * info.num_subcores
    r_per_w = R // NW
    CH = 512
    mesh = plsc.VectorSubcoreMesh(core_axis_name="c", subcore_axis_name="s")

    @functools.partial(
        pl.kernel, mesh=mesh,
        out_type=jax.ShapeDtypeStruct((R, 128), jnp.float32),
        scratch_types=[
            pltpu.VMEM((CH,), jnp.int32),
            pltpu.VMEM((CH, 128), jnp.float32),
            pltpu.SemaphoreType.DMA,
        ],
    )
    def k(table_hbm, idx_hbm, out_hbm, idx_v, rows_v, sem):
        wid = lax.axis_index("s") * info.num_cores + lax.axis_index("c")
        base = wid * r_per_w
        for chunk in range(r_per_w // CH):
            off = base + chunk * CH
            pltpu.sync_copy(idx_hbm.at[pl.ds(off, CH)], idx_v)
            pltpu.async_copy(table_hbm.at[idx_v], rows_v, sem).wait()
            pltpu.sync_copy(rows_v, out_hbm.at[pl.ds(off, CH)])

    return k(table, idx)


@jax.jit
def kernel(xyz1, feat1, xyz2, feat2, W1_0, b1_0, W1_1, b1_1, W1_2, b1_2, W2_0, b2_0):
    wf = W1_0[:C2]
    wx = W1_0[C2:]
    w2a = W2_0[:128]
    w2b = W2_0[128:]
    b1_0r = b1_0.reshape(1, -1)
    b11 = b1_1.reshape(1, -1)
    b12 = b1_2.reshape(1, -1)
    b2 = b2_0.reshape(1, -1)
    xyz2t = jnp.transpose(xyz2, (0, 2, 1))

    h = pl.pallas_call(
        _precompute_h_kernel,
        grid=(B,),
        in_specs=[
            pl.BlockSpec((1, N2, C2), lambda b: (b, 0, 0)),
            pl.BlockSpec((1, N2, 3), lambda b: (b, 0, 0)),
            pl.BlockSpec((C2, 64), lambda b: (0, 0)),
            pl.BlockSpec((3, 64), lambda b: (0, 0)),
            pl.BlockSpec((1, 64), lambda b: (0, 0)),
        ],
        out_specs=pl.BlockSpec((1, N2, 64), lambda b: (b, 0, 0)),
        out_shape=jax.ShapeDtypeStruct((B, N2, 64), jnp.float32),
        compiler_params=pltpu.CompilerParams(
            dimension_semantics=("parallel",),
        ),
    )(feat2, xyz2, wf, wx, b1_0r)

    idx = pl.pallas_call(
        _knn_kernel,
        grid=(B,),
        in_specs=[
            pl.BlockSpec((1, QT, 3), lambda b: (b, 0, 0)),
            pl.BlockSpec((1, 3, N2), lambda b: (b, 0, 0)),
        ],
        out_specs=pl.BlockSpec((1, QT, K), lambda b: (b, 0, 0)),
        out_shape=jax.ShapeDtypeStruct((B, N1, K), jnp.int32),
        compiler_params=pltpu.CompilerParams(
            dimension_semantics=("arbitrary",),
        ),
    )(xyz1, xyz2t)

    h_pad = jnp.pad(h, ((0, 0), (0, 0), (0, 64)))
    g = _sc_gather(h_pad.reshape(B * N2, 128), idx.reshape(B * N1 * K))
    g = g.reshape(B, N1, K, 128)

    out = pl.pallas_call(
        _mlp_kernel,
        grid=(B,),
        in_specs=[
            pl.BlockSpec((1, QT, K, 128), lambda b: (b, 0, 0, 0)),
            pl.BlockSpec((1, QT, 3), lambda b: (b, 0, 0)),
            pl.BlockSpec((1, QT, C1), lambda b: (b, 0, 0)),
            pl.BlockSpec((3, 64), lambda b: (0, 0)),
            pl.BlockSpec((64, 64), lambda b: (0, 0)),
            pl.BlockSpec((1, 64), lambda b: (0, 0)),
            pl.BlockSpec((64, 128), lambda b: (0, 0)),
            pl.BlockSpec((1, 128), lambda b: (0, 0)),
            pl.BlockSpec((128, 128), lambda b: (0, 0)),
            pl.BlockSpec((64, 128), lambda b: (0, 0)),
            pl.BlockSpec((1, 128), lambda b: (0, 0)),
        ],
        out_specs=pl.BlockSpec((1, QT, 128), lambda b: (b, 0, 0)),
        out_shape=jax.ShapeDtypeStruct((B, N1, 128), jnp.float32),
        compiler_params=pltpu.CompilerParams(
            dimension_semantics=("arbitrary",),
        ),
    )(g, xyz1, feat1, wx, W1_1, b11, W1_2, b12, w2a, w2b, b2)

    return out

# --- scband reference (transcript-rebuilt; emitter-appended) ---
"""Pipeline reference for scband-set-up-conv-70325794505114 (READ-ONLY COPY).

The authoritative reference and input builder live on the scoring server;
editing this copy changes nothing except your own understanding.
"""

import jax, jax.numpy as jnp
import numpy as np


def knn_point(k, xyz2, xyz1):
    # pairwise squared L2 distances: [B, N1, N2]
    d = jnp.sum((xyz1[:, :, None, :] - xyz2[:, None, :, :]) ** 2, axis=-1)
    neg_d, idx = jax.lax.top_k(-d, k)
    return -neg_d, idx


def group_point(points, idx):
    # points: [B, N2, C], idx: [B, N1, k] -> [B, N1, k, C]
    return jax.vmap(lambda p, i: p[i])(points, idx)


def setup_inputs(seed: int = 0):
    key = jax.random.key(seed)
    ks = jax.random.split(key, 16)
    B, N1, N2 = 16, 2048, 512
    C1, C2 = 64, 128
    out = {}
    out["xyz1"] = jax.random.normal(ks[0], (B, N1, 3), dtype=jnp.float32)
    out["feat1"] = jax.random.normal(ks[1], (B, N1, C1), dtype=jnp.float32)
    out["xyz2"] = jax.random.normal(ks[2], (B, N2, 3), dtype=jnp.float32)
    out["feat2"] = jax.random.normal(ks[3], (B, N2, C2), dtype=jnp.float32)
    mlp = [64, 64, 128]
    mlp2 = [128]
    c_in = C2 + 3
    for i, c_out in enumerate(mlp):
        out[f"W1_{i}"] = jax.random.normal(ks[4 + i], (c_in, c_out), dtype=jnp.float32) * (1.0 / np.sqrt(c_in))
        out[f"b1_{i}"] = jnp.zeros((c_out,), dtype=jnp.float32)
        c_in = c_out
    c_in = mlp[-1] + C1
    for i, c_out in enumerate(mlp2):
        out[f"W2_{i}"] = jax.random.normal(ks[8 + i], (c_in, c_out), dtype=jnp.float32) * (1.0 / np.sqrt(c_in))
        out[f"b2_{i}"] = jnp.zeros((c_out,), dtype=jnp.float32)
        c_in = c_out
    return out


def reference(xyz1, feat1, xyz2, feat2, W1_0, b1_0, W1_1, b1_1, W1_2, b1_2, W2_0, b2_0):
    k = 8
    _, idx = knn_point(k, xyz2, xyz1)                 # [B, N1, k]
    xyz2_grouped = group_point(xyz2, idx)             # [B, N1, k, 3]
    xyz_diff = xyz2_grouped - xyz1[:, :, None, :]     # [B, N1, k, 3]
    feat2_grouped = group_point(feat2, idx)           # [B, N1, k, C2]
    net = jnp.concatenate([feat2_grouped, xyz_diff], axis=3)
    for W, b in ((W1_0, b1_0), (W1_1, b1_1), (W1_2, b1_2)):
        net = jax.nn.relu(net @ W + b)                # 1x1 conv == pointwise dense
    feat1_new = jnp.max(net, axis=2)                  # max pooling over k neighbors
    feat1_new = jnp.concatenate([feat1_new, feat1], axis=2)
    for W, b in ((W2_0, b2_0),):
        feat1_new = jax.nn.relu(feat1_new @ W + b)
    return feat1_new

if __name__ == "__main__":
    import jax
    _d = setup_inputs()
    print(jax.jit(kernel)(*tuple(_d.values())))

</pallas_src>

<mosaic_0001>
#map = affine_map<(d0, d1) -> (0, 0)>
#map1 = affine_map<(d0, d1) -> (0)>
module attributes {stable_mosaic.version = 14 : i64} {
  func.func @k(%arg0: i32, %arg1: i32, %arg2: memref<8192x128xf32, #tpu.memory_space<hbm>>, %arg3: memref<262144xi32, #tpu.memory_space<hbm>>, %arg4: memref<262144x128xf32, #tpu.memory_space<hbm>>, %arg5: memref<512xi32, #tpu.memory_space<vmem>>, %arg6: memref<512x128xf32, #tpu.memory_space<vmem>>, %arg7: memref<!tpu.dma_semaphore, #tpu.memory_space<semaphore_mem>>) attributes {dimension_semantics = [#tpu.dimension_semantics<core_parallel>, #tpu.dimension_semantics<subcore_parallel>], iteration_bounds = array<i64: 2, 16>, scalar_prefetch = 0 : i64, scratch_operands = 3 : i64, tpu.core_type = #tpu.core_type<sc_vector_subcore>, window_params = [{transform_indices = #map}, {transform_indices = #map1}, {transform_indices = #map}]} {
    %mul3A = arith.constant 2 : i32
    %mul3A_0 = arith.muli %arg1, %mul3A : i32
    %add3A = arith.addi %mul3A_0, %arg0 : i32
    %mul3A_1 = arith.constant 8192 : i32
    %mul3A_2 = arith.muli %add3A, %mul3A_1 : i32
    %add3A_3 = arith.constant 0 : i32
    %add3A_4 = arith.addi %mul3A_2, %add3A_3 : i32
    "tpu.region"() ({
      %run_scoped3A = tpu.sem_alloc : memref<!tpu.dma_semaphore, #tpu.memory_space<semaphore_mem>>
      %dma_start3A_129 = tpu.memref_slice %arg3[%add3A_4] : memref<262144xi32, #tpu.memory_space<hbm>> -> memref<512xi32, #tpu.memory_space<hbm>>
      %dma_start3A_130 = tpu.memref_slice %arg3[%add3A_4] : memref<262144xi32, #tpu.memory_space<hbm>> -> memref<512xi32, #tpu.memory_space<hbm>>
      tpu.enqueue_dma source(%dma_start3A_130 : memref<512xi32, #tpu.memory_space<hbm>>) target(%arg5 : memref<512xi32, #tpu.memory_space<vmem>>) target_semaphore(%run_scoped3A : memref<!tpu.dma_semaphore, #tpu.memory_space<semaphore_mem>>)
      %dma_wait3A_131 = tpu.memref_slice %arg3[%add3A_4] : memref<262144xi32, #tpu.memory_space<hbm>> -> memref<512xi32, #tpu.memory_space<hbm>>
      %dma_wait3A_132 = tpu.memref_slice %arg3[%add3A_4] : memref<262144xi32, #tpu.memory_space<hbm>> -> memref<512xi32, #tpu.memory_space<hbm>>
      tpu.wait_dma2 semaphore(%run_scoped3A : memref<!tpu.dma_semaphore, #tpu.memory_space<semaphore_mem>>) src(%dma_wait3A_132 : memref<512xi32, #tpu.memory_space<hbm>>) dst(%arg5 : memref<512xi32, #tpu.memory_space<vmem>>)
      tpu.yield
    }) : () -> ()
    %dma_start3A = arith.constant 0 : i32
    %dma_start3A_5 = arith.constant 0 : i32
    %dma_start3A_6 = tpu.memref_slice %arg2[%dma_start3A, %dma_start3A_5] : memref<8192x128xf32, #tpu.memory_space<hbm>> -> memref<8192x128xf32, #tpu.memory_space<hbm>>
    tpu.enqueue_indirect_dma source(%dma_start3A_6 : memref<8192x128xf32, #tpu.memory_space<hbm>>) target(%arg6 : memref<512x128xf32, #tpu.memory_space<vmem>>) offsets(%arg5 : memref<512xi32, #tpu.memory_space<vmem>>) semaphore(%arg7 : memref<!tpu.dma_semaphore, #tpu.memory_space<semaphore_mem>>)
    %dma_wait3A = arith.constant 0 : i32
    %dma_wait3A_7 = arith.constant 0 : i32
    %dma_wait3A_8 = tpu.memref_slice %arg2[%dma_wait3A, %dma_wait3A_7] : memref<8192x128xf32, #tpu.memory_space<hbm>> -> memref<8192x128xf32, #tpu.memory_space<hbm>>
    tpu.wait_indirect_dma semaphore(%arg7 : memref<!tpu.dma_semaphore, #tpu.memory_space<semaphore_mem>>) src(%dma_wait3A_8 : memref<8192x128xf32, #tpu.memory_space<hbm>>) dst(%arg6 : memref<512x128xf32, #tpu.memory_space<vmem>>)
    "tpu.region"() ({
      %run_scoped3A = tpu.sem_alloc : memref<!tpu.dma_semaphore, #tpu.memory_space<semaphore_mem>>
      %dma_start3A_129 = arith.constant 0 : i32
      %dma_start3A_130 = tpu.memref_slice %arg4[%add3A_4, %dma_start3A_129] : memref<262144x128xf32, #tpu.memory_space<hbm>> -> memref<512x128xf32, #tpu.memory_space<hbm>>
      %dma_start3A_131 = arith.constant 0 : i32
      %dma_start3A_132 = tpu.memref_slice %arg4[%add3A_4, %dma_start3A_131] : memref<262144x128xf32, #tpu.memory_space<hbm>> -> memref<512x128xf32, #tpu.memory_space<hbm>>
      tpu.enqueue_dma source(%arg6 : memref<512x128xf32, #tpu.memory_space<vmem>>) target(%dma_start3A_132 : memref<512x128xf32, #tpu.memory_space<hbm>>) target_semaphore(%run_scoped3A : memref<!tpu.dma_semaphore, #tpu.memory_space<semaphore_mem>>)
      %dma_wait3A_133 = arith.constant 0 : i32
      %dma_wait3A_134 = tpu.memref_slice %arg4[%add3A_4, %dma_wait3A_133] : memref<262144x128xf32, #tpu.memory_space<hbm>> -> memref<512x128xf32, #tpu.memory_space<hbm>>
      %dma_wait3A_135 = arith.constant 0 : i32
      %dma_wait3A_136 = tpu.memref_slice %arg4[%add3A_4, %dma_wait3A_135] : memref<262144x128xf32, #tpu.memory_space<hbm>> -> memref<512x128xf32, #tpu.memory_space<hbm>>
      tpu.wait_dma2 semaphore(%run_scoped3A : memref<!tpu.dma_semaphore, #tpu.memory_space<semaphore_mem>>) src(%arg6 : memref<512x128xf32, #tpu.memory_space<vmem>>) dst(%dma_wait3A_136 : memref<512x128xf32, #tpu.memory_space<hbm>>)
      tpu.yield
    }) : () -> ()
    %add3A_9 = arith.constant 512 : i32
    %add3A_10 = arith.addi %mul3A_2, %add3A_9 : i32
    "tpu.region"() ({
      %run_scoped3A = tpu.sem_alloc : memref<!tpu.dma_semaphore, #tpu.memory_space<semaphore_mem>>
      %dma_start3A_129 = tpu.memref_slice %arg3[%add3A_10] : memref<262144xi32, #tpu.memory_space<hbm>> -> memref<512xi32, #tpu.memory_space<hbm>>
      %dma_start3A_130 = tpu.memref_slice %arg3[%add3A_10] : memref<262144xi32, #tpu.memory_space<hbm>> -> memref<512xi32, #tpu.memory_space<hbm>>
      tpu.enqueue_dma source(%dma_start3A_130 : memref<512xi32, #tpu.memory_space<hbm>>) target(%arg5 : memref<512xi32, #tpu.memory_space<vmem>>) target_semaphore(%run_scoped3A : memref<!tpu.dma_semaphore, #tpu.memory_space<semaphore_mem>>)
      %dma_wait3A_131 = tpu.memref_slice %arg3[%add3A_10] : memref<262144xi32, #tpu.memory_space<hbm>> -> memref<512xi32, #tpu.memory_space<hbm>>
      %dma_wait3A_132 = tpu.memref_slice %arg3[%add3A_10] : memref<262144xi32, #tpu.memory_space<hbm>> -> memref<512xi32, #tpu.memory_space<hbm>>
      tpu.wait_dma2 semaphore(%run_scoped3A : memref<!tpu.dma_semaphore, #tpu.memory_space<semaphore_mem>>) src(%dma_wait3A_132 : memref<512xi32, #tpu.memory_space<hbm>>) dst(%arg5 : memref<512xi32, #tpu.memory_space<vmem>>)
      tpu.yield
    }) : () -> ()
    %dma_start3A_11 = arith.constant 0 : i32
    %dma_start3A_12 = arith.constant 0 : i32
    %dma_start3A_13 = tpu.memref_slice %arg2[%dma_start3A_11, %dma_start3A_12] : memref<8192x128xf32, #tpu.memory_space<hbm>> -> memref<8192x128xf32, #tpu.memory_space<hbm>>
    tpu.enqueue_indirect_dma source(%dma_start3A_13 : memref<8192x128xf32, #tpu.memory_space<hbm>>) target(%arg6 : memref<512x128xf32, #tpu.memory_space<vmem>>) offsets(%arg5 : memref<512xi32, #tpu.memory_space<vmem>>) semaphore(%arg7 : memref<!tpu.dma_semaphore, #tpu.memory_space<semaphore_mem>>)
    %dma_wait3A_14 = arith.constant 0 : i32
    %dma_wait3A_15 = arith.constant 0 : i32
    %dma_wait3A_16 = tpu.memref_slice %arg2[%dma_wait3A_14, %dma_wait3A_15] : memref<8192x128xf32, #tpu.memory_space<hbm>> -> memref<8192x128xf32, #tpu.memory_space<hbm>>
    tpu.wait_indirect_dma semaphore(%arg7 : memref<!tpu.dma_semaphore, #tpu.memory_space<semaphore_mem>>) src(%dma_wait3A_16 : memref<8192x128xf32, #tpu.memory_space<hbm>>) dst(%arg6 : memref<512x128xf32, #tpu.memory_space<vmem>>)
    "tpu.region"() ({
      %run_scoped3A = tpu.sem_alloc : memref<!tpu.dma_semaphore, #tpu.memory_space<semaphore_mem>>
      %dma_start3A_129 = arith.constant 0 : i32
      %dma_start3A_130 = tpu.memref_slice %arg4[%add3A_10, %dma_start3A_129] : memref<262144x128xf32, #tpu.memory_space<hbm>> -> memref<512x128xf32, #tpu.memory_space<hbm>>
      %dma_start3A_131 = arith.constant 0 : i32
      %dma_start3A_132 = tpu.memref_slice %arg4[%add3A_10, %dma_start3A_131] : memref<262144x128xf32, #tpu.memory_space<hbm>> -> memref<512x128xf32, #tpu.memory_space<hbm>>
      tpu.enqueue_dma source(%arg6 : memref<512x128xf32, #tpu.memory_space<vmem>>) target(%dma_start3A_132 : memref<512x128xf32, #tpu.memory_space<hbm>>) target_semaphore(%run_scoped3A : memref<!tpu.dma_semaphore, #tpu.memory_space<semaphore_mem>>)
      %dma_wait3A_133 = arith.constant 0 : i32
      %dma_wait3A_134 = tpu.memref_slice %arg4[%add3A_10, %dma_wait3A_133] : memref<262144x128xf32, #tpu.memory_space<hbm>> -> memref<512x128xf32, #tpu.memory_space<hbm>>
      %dma_wait3A_135 = arith.constant 0 : i32
      %dma_wait3A_136 = tpu.memref_slice %arg4[%add3A_10, %dma_wait3A_135] : memref<262144x128xf32, #tpu.memory_space<hbm>> -> memref<512x128xf32, #tpu.memory_space<hbm>>
      tpu.wait_dma2 semaphore(%run_scoped3A : memref<!tpu.dma_semaphore, #tpu.memory_space<semaphore_mem>>) src(%arg6 : memref<512x128xf32, #tpu.memory_space<vmem>>) dst(%dma_wait3A_136 : memref<512x128xf32, #tpu.memory_space<hbm>>)
      tpu.yield
    }) : () -> ()
    %add3A_17 = arith.constant 1024 : i32
    %add3A_18 = arith.addi %mul3A_2, %add3A_17 : i32
    "tpu.region"() ({
      %run_scoped3A = tpu.sem_alloc : memref<!tpu.dma_semaphore, #tpu.memory_space<semaphore_mem>>
      %dma_start3A_129 = tpu.memref_slice %arg3[%add3A_18] : memref<262144xi32, #tpu.memory_space<hbm>> -> memref<512xi32, #tpu.memory_space<hbm>>
      %dma_start3A_130 = tpu.memref_slice %arg3[%add3A_18] : memref<262144xi32, #tpu.memory_space<hbm>> -> memref<512xi32, #tpu.memory_space<hbm>>
      tpu.enqueue_dma source(%dma_start3A_130 : memref<512xi32, #tpu.memory_space<hbm>>) target(%arg5 : memref<512xi32, #tpu.memory_space<vmem>>) target_semaphore(%run_scoped3A : memref<!tpu.dma_semaphore, #tpu.memory_space<semaphore_mem>>)
      %dma_wait3A_131 = tpu.memref_slice %arg3[%add3A_18] : memref<262144xi32, #tpu.memory_space<hbm>> -> memref<512xi32, #tpu.memory_space<hbm>>
      %dma_wait3A_132 = tpu.memref_slice %arg3[%add3A_18] : memref<262144xi32, #tpu.memory_space<hbm>> -> memref<512xi32, #tpu.memory_space<hbm>>
      tpu.wait_dma2 semaphore(%run_scoped3A : memref<!tpu.dma_semaphore, #tpu.memory_space<semaphore_mem>>) src(%dma_wait3A_132 : memref<512xi32, #tpu.memory_space<hbm>>) dst(%arg5 : memref<512xi32, #tpu.memory_space<vmem>>)
      tpu.yield
    }) : () -> ()
    %dma_start3A_19 = arith.constant 0 : i32
    %dma_start3A_20 = arith.constant 0 : i32
    %dma_start3A_21 = tpu.memref_slice %arg2[%dma_start3A_19, %dma_start3A_20] : memref<8192x128xf32, #tpu.memory_space<hbm>> -> memref<8192x128xf32, #tpu.memory_space<hbm>>
    tpu.enqueue_indirect_dma source(%dma_start3A_21 : memref<8192x128xf32, #tpu.memory_space<hbm>>) target(%arg6 : memref<512x128xf32, #tpu.memory_space<vmem>>) offsets(%arg5 : memref<512xi32, #tpu.memory_space<vmem>>) semaphore(%arg7 : memref<!tpu.dma_semaphore, #tpu.memory_space<semaphore_mem>>)
    %dma_wait3A_22 = arith.constant 0 : i32
    %dma_wait3A_23 = arith.constant 0 : i32
    %dma_wait3A_24 = tpu.memref_slice %arg2[%dma_wait3A_22, %dma_wait3A_23] : memref<8192x128xf32, #tpu.memory_space<hbm>> -> memref<8192x128xf32, #tpu.memory_space<hbm>>
    tpu.wait_indirect_dma semaphore(%arg7 : memref<!tpu.dma_semaphore, #tpu.memory_space<semaphore_mem>>) src(%dma_wait3A_24 : memref<8192x128xf32, #tpu.memory_space<hbm>>) dst(%arg6 : memref<512x128xf32, #tpu.memory_space<vmem>>)
    "tpu.region"() ({
      %run_scoped3A = tpu.sem_alloc : memref<!tpu.dma_semaphore, #tpu.memory_space<semaphore_mem>>
      %dma_start3A_129 = arith.constant 0 : i32
      %dma_start3A_130 = tpu.memref_slice %arg4[%add3A_18, %dma_start3A_129] : memref<262144x128xf32, #tpu.memory_space<hbm>> -> memref<512x128xf32, #tpu.memory_space<hbm>>
      %dma_start3A_131 = arith.constant 0 : i32
      %dma_start3A_132 = tpu.memref_slice %arg4[%add3A_18, %dma_start3A_131] : memref<262144x128xf32, #tpu.memory_space<hbm>> -> memref<512x128xf32, #tpu.memory_space<hbm>>
      tpu.enqueue_dma source(%arg6 : memref<512x128xf32, #tpu.memory_space<vmem>>) target(%dma_start3A_132 : memref<512x128xf32, #tpu.memory_space<hbm>>) target_semaphore(%run_scoped3A : memref<!tpu.dma_semaphore, #tpu.memory_space<semaphore_mem>>)
      %dma_wait3A_133 = arith.constant 0 : i32
      %dma_wait3A_134 = tpu.memref_slice %arg4[%add3A_18, %dma_wait3A_133] : memref<262144x128xf32, #tpu.memory_space<hbm>> -> memref<512x128xf32, #tpu.memory_space<hbm>>
      %dma_wait3A_135 = arith.constant 0 : i32
      %dma_wait3A_136 = tpu.memref_slice %arg4[%add3A_18, %dma_wait3A_135] : memref<262144x128xf32, #tpu.memory_space<hbm>> -> memref<512x128xf32, #tpu.memory_space<hbm>>
      tpu.wait_dma2 semaphore(%run_scoped3A : memref<!tpu.dma_semaphore, #tpu.memory_space<semaphore_mem>>) src(%arg6 : memref<512x128xf32, #tpu.memory_space<vmem>>) dst(%dma_wait3A_136 : memref<512x128xf32, #tpu.memory_space<hbm>>)
      tpu.yield
    }) : () -> ()
    %add3A_25 = arith.constant 1536 : i32
    %add3A_26 = arith.addi %mul3A_2, %add3A_25 : i32
    "tpu.region"() ({
      %run_scoped3A = tpu.sem_alloc : memref<!tpu.dma_semaphore, #tpu.memory_space<semaphore_mem>>
      %dma_start3A_129 = tpu.memref_slice %arg3[%add3A_26] : memref<262144xi32, #tpu.memory_space<hbm>> -> memref<512xi32, #tpu.memory_space<hbm>>
      %dma_start3A_130 = tpu.memref_slice %arg3[%add3A_26] : memref<262144xi32, #tpu.memory_space<hbm>> -> memref<512xi32, #tpu.memory_space<hbm>>
      tpu.enqueue_dma source(%dma_start3A_130 : memref<512xi32, #tpu.memory_space<hbm>>) target(%arg5 : memref<512xi32, #tpu.memory_space<vmem>>) target_semaphore(%run_scoped3A : memref<!tpu.dma_semaphore, #tpu.memory_space<semaphore_mem>>)
      %dma_wait3A_131 = tpu.memref_slice %arg3[%add3A_26] : memref<262144xi32, #tpu.memory_space<hbm>> -> memref<512xi32, #tpu.memory_space<hbm>>
      %dma_wait3A_132 = tpu.memref_slice %arg3[%add3A_26] : memref<262144xi32, #tpu.memory_space<hbm>> -> memref<512xi32, #tpu.memory_space<hbm>>
      tpu.wait_dma2 semaphore(%run_scoped3A : memref<!tpu.dma_semaphore, #tpu.memory_space<semaphore_mem>>) src(%dma_wait3A_132 : memref<512xi32, #tpu.memory_space<hbm>>) dst(%arg5 : memref<512xi32, #tpu.memory_space<vmem>>)
      tpu.yield
    }) : () -> ()
    %dma_start3A_27 = arith.constant 0 : i32
    %dma_start3A_28 = arith.constant 0 : i32
    %dma_start3A_29 = tpu.memref_slice %arg2[%dma_start3A_27, %dma_start3A_28] : memref<8192x128xf32, #tpu.memory_space<hbm>> -> memref<8192x128xf32, #tpu.memory_space<hbm>>
    tpu.enqueue_indirect_dma source(%dma_start3A_29 : memref<8192x128xf32, #tpu.memory_space<hbm>>) target(%arg6 : memref<512x128xf32, #tpu.memory_space<vmem>>) offsets(%arg5 : memref<512xi32, #tpu.memory_space<vmem>>) semaphore(%arg7 : memref<!tpu.dma_semaphore, #tpu.memory_space<semaphore_mem>>)
    %dma_wait3A_30 = arith.constant 0 : i32
    %dma_wait3A_31 = arith.constant 0 : i32
    %dma_wait3A_32 = tpu.memref_slice %arg2[%dma_wait3A_30, %dma_wait3A_31] : memref<8192x128xf32, #tpu.memory_space<hbm>> -> memref<8192x128xf32, #tpu.memory_space<hbm>>
    tpu.wait_indirect_dma semaphore(%arg7 : memref<!tpu.dma_semaphore, #tpu.memory_space<semaphore_mem>>) src(%dma_wait3A_32 : memref<8192x128xf32, #tpu.memory_space<hbm>>) dst(%arg6 : memref<512x128xf32, #tpu.memory_space<vmem>>)
    "tpu.region"() ({
      %run_scoped3A = tpu.sem_alloc : memref<!tpu.dma_semaphore, #tpu.memory_space<semaphore_mem>>
      %dma_start3A_129 = arith.constant 0 : i32
      %dma_start3A_130 = tpu.memref_slice %arg4[%add3A_26, %dma_start3A_129] : memref<262144x128xf32, #tpu.memory_space<hbm>> -> memref<512x128xf32, #tpu.memory_space<hbm>>
      %dma_start3A_131 = arith.constant 0 : i32
      %dma_start3A_132 = tpu.memref_slice %arg4[%add3A_26, %dma_start3A_131] : memref<262144x128xf32, #tpu.memory_space<hbm>> -> memref<512x128xf32, #tpu.memory_space<hbm>>
      tpu.enqueue_dma source(%arg6 : memref<512x128xf32, #tpu.memory_space<vmem>>) target(%dma_start3A_132 : memref<512x128xf32, #tpu.memory_space<hbm>>) target_semaphore(%run_scoped3A : memref<!tpu.dma_semaphore, #tpu.memory_space<semaphore_mem>>)
      %dma_wait3A_133 = arith.constant 0 : i32
      %dma_wait3A_134 = tpu.memref_slice %arg4[%add3A_26, %dma_wait3A_133] : memref<262144x128xf32, #tpu.memory_space<hbm>> -> memref<512x128xf32, #tpu.memory_space<hbm>>
      %dma_wait3A_135 = arith.constant 0 : i32
      %dma_wait3A_136 = tpu.memref_slice %arg4[%add3A_26, %dma_wait3A_135] : memref<262144x128xf32, #tpu.memory_space<hbm>> -> memref<512x128xf32, #tpu.memory_space<hbm>>
      tpu.wait_dma2 semaphore(%run_scoped3A : memref<!tpu.dma_semaphore, #tpu.memory_space<semaphore_mem>>) src(%arg6 : memref<512x128xf32, #tpu.memory_space<vmem>>) dst(%dma_wait3A_136 : memref<512x128xf32, #tpu.memory_space<hbm>>)
      tpu.yield
    }) : () -> ()
    %add3A_33 = arith.constant 2048 : i32
    %add3A_34 = arith.addi %mul3A_2, %add3A_33 : i32
    "tpu.region"() ({
      %run_scoped3A = tpu.sem_alloc : memref<!tpu.dma_semaphore, #tpu.memory_space<semaphore_mem>>
      %dma_start3A_129 = tpu.memref_slice %arg3[%add3A_34] : memref<262144xi32, #tpu.memory_space<hbm>> -> memref<512xi32, #tpu.memory_space<hbm>>
      %dma_start3A_130 = tpu.memref_slice %arg3[%add3A_34] : memref<262144xi32, #tpu.memory_space<hbm>> -> memref<512xi32, #tpu.memory_space<hbm>>
      tpu.enqueue_dma source(%dma_start3A_130 : memref<512xi32, #tpu.memory_space<hbm>>) target(%arg5 : memref<512xi32, #tpu.memory_space<vmem>>) target_semaphore(%run_scoped3A : memref<!tpu.dma_semaphore, #tpu.memory_space<semaphore_mem>>)
      %dma_wait3A_131 = tpu.memref_slice %arg3[%add3A_34] : memref<262144xi32, #tpu.memory_space<hbm>> -> memref<512xi32, #tpu.memory_space<hbm>>
      %dma_wait3A_132 = tpu.memref_slice %arg3[%add3A_34] : memref<262144xi32, #tpu.memory_space<hbm>> -> memref<512xi32, #tpu.memory_space<hbm>>
      tpu.wait_dma2 semaphore(%run_scoped3A : memref<!tpu.dma_semaphore, #tpu.memory_space<semaphore_mem>>) src(%dma_wait3A_132 : memref<512xi32, #tpu.memory_space<hbm>>) dst(%arg5 : memref<512xi32, #tpu.memory_space<vmem>>)
      tpu.yield
    }) : () -> ()
    %dma_start3A_35 = arith.constant 0 : i32
    %dma_start3A_36 = arith.constant 0 : i32
    %dma_start3A_37 = tpu.memref_slice %arg2[%dma_start3A_35, %dma_start3A_36] : memref<8192x128xf32, #tpu.memory_space<hbm>> -> memref<8192x128xf32, #tpu.memory_space<hbm>>
    tpu.enqueue_indirect_dma source(%dma_start3A_37 : memref<8192x128xf32, #tpu.memory_space<hbm>>) target(%arg6 : memref<512x128xf32, #tpu.memory_space<vmem>>) offsets(%arg5 : memref<512xi32, #tpu.memory_space<vmem>>) semaphore(%arg7 : memref<!tpu.dma_semaphore, #tpu.memory_space<semaphore_mem>>)
    %dma_wait3A_38 = arith.constant 0 : i32
    %dma_wait3A_39 = arith.constant 0 : i32
    %dma_wait3A_40 = tpu.memref_slice %arg2[%dma_wait3A_38, %dma_wait3A_39] : memref<8192x128xf32, #tpu.memory_space<hbm>> -> memref<8192x128xf32, #tpu.memory_space<hbm>>
    tpu.wait_indirect_dma semaphore(%arg7 : memref<!tpu.dma_semaphore, #tpu.memory_space<semaphore_mem>>) src(%dma_wait3A_40 : memref<8192x128xf32, #tpu.memory_space<hbm>>) dst(%arg6 : memref<512x128xf32, #tpu.memory_space<vmem>>)
    "tpu.region"() ({
      %run_scoped3A = tpu.sem_alloc : memref<!tpu.dma_semaphore, #tpu.memory_space<semaphore_mem>>
      %dma_start3A_129 = arith.constant 0 : i32
      %dma_start3A_130 = tpu.memref_slice %arg4[%add3A_34, %dma_start3A_129] : memref<262144x128xf32, #tpu.memory_space<hbm>> -> memref<512x128xf32, #tpu.memory_space<hbm>>
      %dma_start3A_131 = arith.constant 0 : i32
      %dma_start3A_132 = tpu.memref_slice %arg4[%add3A_34, %dma_start3A_131] : memref<262144x128xf32, #tpu.memory_space<hbm>> -> memref<512x128xf32, #tpu.memory_space<hbm>>
      tpu.enqueue_dma source(%arg6 : memref<512x128xf32, #tpu.memory_space<vmem>>) target(%dma_start3A_132 : memref<512x128xf32, #tpu.memory_space<hbm>>) target_semaphore(%run_scoped3A : memref<!tpu.dma_semaphore, #tpu.memory_space<semaphore_mem>>)
      %dma_wait3A_133 = arith.constant 0 : i32
      %dma_wait3A_134 = tpu.memref_slice %arg4[%add3A_34, %dma_wait3A_133] : memref<262144x128xf32, #tpu.memory_space<hbm>> -> memref<512x128xf32, #tpu.memory_space<hbm>>
      %dma_wait3A_135 = arith.constant 0 : i32
      %dma_wait3A_136 = tpu.memref_slice %arg4[%add3A_34, %dma_wait3A_135] : memref<262144x128xf32, #tpu.memory_space<hbm>> -> memref<512x128xf32, #tpu.memory_space<hbm>>
      tpu.wait_dma2 semaphore(%run_scoped3A : memref<!tpu.dma_semaphore, #tpu.memory_space<semaphore_mem>>) src(%arg6 : memref<512x128xf32, #tpu.memory_space<vmem>>) dst(%dma_wait3A_136 : memref<512x128xf32, #tpu.memory_space<hbm>>)
      tpu.yield
    }) : () -> ()
    %add3A_41 = arith.constant 2560 : i32
    %add3A_42 = arith.addi %mul3A_2, %add3A_41 : i32
    "tpu.region"() ({
      %run_scoped3A = tpu.sem_alloc : memref<!tpu.dma_semaphore, #tpu.memory_space<semaphore_mem>>
      %dma_start3A_129 = tpu.memref_slice %arg3[%add3A_42] : memref<262144xi32, #tpu.memory_space<hbm>> -> memref<512xi32, #tpu.memory_space<hbm>>
      %dma_start3A_130 = tpu.memref_slice %arg3[%add3A_42] : memref<262144xi32, #tpu.memory_space<hbm>> -> memref<512xi32, #tpu.memory_space<hbm>>
      tpu.enqueue_dma source(%dma_start3A_130 : memref<512xi32, #tpu.memory_space<hbm>>) target(%arg5 : memref<512xi32, #tpu.memory_space<vmem>>) target_semaphore(%run_scoped3A : memref<!tpu.dma_semaphore, #tpu.memory_space<semaphore_mem>>)
      %dma_wait3A_131 = tpu.memref_slice %arg3[%add3A_42] : memref<262144xi32, #tpu.memory_space<hbm>> -> memref<512xi32, #tpu.memory_space<hbm>>
      %dma_wait3A_132 = tpu.memref_slice %arg3[%add3A_42] : memref<262144xi32, #tpu.memory_space<hbm>> -> memref<512xi32, #tpu.memory_space<hbm>>
      tpu.wait_dma2 semaphore(%run_scoped3A : memref<!tpu.dma_semaphore, #tpu.memory_space<semaphore_mem>>) src(%dma_wait3A_132 : memref<512xi32, #tpu.memory_space<hbm>>) dst(%arg5 : memref<512xi32, #tpu.memory_space<vmem>>)
      tpu.yield
    }) : () -> ()
    %dma_start3A_43 = arith.constant 0 : i32
    %dma_start3A_44 = arith.constant 0 : i32
    %dma_start3A_45 = tpu.memref_slice %arg2[%dma_start3A_43, %dma_start3A_44] : memref<8192x128xf32, #tpu.memory_space<hbm>> -> memref<8192x128xf32, #tpu.memory_space<hbm>>
    tpu.enqueue_indirect_dma source(%dma_start3A_45 : memref<8192x128xf32, #tpu.memory_space<hbm>>) target(%arg6 : memref<512x128xf32, #tpu.memory_space<vmem>>) offsets(%arg5 : memref<512xi32, #tpu.memory_space<vmem>>) semaphore(%arg7 : memref<!tpu.dma_semaphore, #tpu.memory_space<semaphore_mem>>)
    %dma_wait3A_46 = arith.constant 0 : i32
    %dma_wait3A_47 = arith.constant 0 : i32
    %dma_wait3A_48 = tpu.memref_slice %arg2[%dma_wait3A_46, %dma_wait3A_47] : memref<8192x128xf32, #tpu.memory_space<hbm>> -> memref<8192x128xf32, #tpu.memory_space<hbm>>
    tpu.wait_indirect_dma semaphore(%arg7 : memref<!tpu.dma_semaphore, #tpu.memory_space<semaphore_mem>>) src(%dma_wait3A_48 : memref<8192x128xf32, #tpu.memory_space<hbm>>) dst(%arg6 : memref<512x128xf32, #tpu.memory_space<vmem>>)
    "tpu.region"() ({
      %run_scoped3A = tpu.sem_alloc : memref<!tpu.dma_semaphore, #tpu.memory_space<semaphore_mem>>
      %dma_start3A_129 = arith.constant 0 : i32
      %dma_start3A_130 = tpu.memref_slice %arg4[%add3A_42, %dma_start3A_129] : memref<262144x128xf32, #tpu.memory_space<hbm>> -> memref<512x128xf32, #tpu.memory_space<hbm>>
      %dma_start3A_131 = arith.constant 0 : i32
      %dma_start3A_132 = tpu.memref_slice %arg4[%add3A_42, %dma_start3A_131] : memref<262144x128xf32, #tpu.memory_space<hbm>> -> memref<512x128xf32, #tpu.memory_space<hbm>>
      tpu.enqueue_dma source(%arg6 : memref<512x128xf32, #tpu.memory_space<vmem>>) target(%dma_start3A_132 : memref<512x128xf32, #tpu.memory_space<hbm>>) target_semaphore(%run_scoped3A : memref<!tpu.dma_semaphore, #tpu.memory_space<semaphore_mem>>)
      %dma_wait3A_133 = arith.constant 0 : i32
      %dma_wait3A_134 = tpu.memref_slice %arg4[%add3A_42, %dma_wait3A_133] : memref<262144x128xf32, #tpu.memory_space<hbm>> -> memref<512x128xf32, #tpu.memory_space<hbm>>
      %dma_wait3A_135 = arith.constant 0 : i32
      %dma_wait3A_136 = tpu.memref_slice %arg4[%add3A_42, %dma_wait3A_135] : memref<262144x128xf32, #tpu.memory_space<hbm>> -> memref<512x128xf32, #tpu.memory_space<hbm>>
      tpu.wait_dma2 semaphore(%run_scoped3A : memref<!tpu.dma_semaphore, #tpu.memory_space<semaphore_mem>>) src(%arg6 : memref<512x128xf32, #tpu.memory_space<vmem>>) dst(%dma_wait3A_136 : memref<512x128xf32, #tpu.memory_space<hbm>>)
      tpu.yield
    }) : () -> ()
    %add3A_49 = arith.constant 3072 : i32
    %add3A_50 = arith.addi %mul3A_2, %add3A_49 : i32
    "tpu.region"() ({
      %run_scoped3A = tpu.sem_alloc : memref<!tpu.dma_semaphore, #tpu.memory_space<semaphore_mem>>
      %dma_start3A_129 = tpu.memref_slice %arg3[%add3A_50] : memref<262144xi32, #tpu.memory_space<hbm>> -> memref<512xi32, #tpu.memory_space<hbm>>
      %dma_start3A_130 = tpu.memref_slice %arg3[%add3A_50] : memref<262144xi32, #tpu.memory_space<hbm>> -> memref<512xi32, #tpu.memory_space<hbm>>
      tpu.enqueue_dma source(%dma_start3A_130 : memref<512xi32, #tpu.memory_space<hbm>>) target(%arg5 : memref<512xi32, #tpu.memory_space<vmem>>) target_semaphore(%run_scoped3A : memref<!tpu.dma_semaphore, #tpu.memory_space<semaphore_mem>>)
      %dma_wait3A_131 = tpu.memref_slice %arg3[%add3A_50] : memref<262144xi32, #tpu.memory_space<hbm>> -> memref<512xi32, #tpu.memory_space<hbm>>
      %dma_wait3A_132 = tpu.memref_slice %arg3[%add3A_50] : memref<262144xi32, #tpu.memory_space<hbm>> -> memref<512xi32, #tpu.memory_space<hbm>>
      tpu.wait_dma2 semaphore(%run_scoped3A : memref<!tpu.dma_semaphore, #tpu.memory_space<semaphore_mem>>) src(%dma_wait3A_132 : memref<512xi32, #tpu.memory_space<hbm>>) dst(%arg5 : memref<512xi32, #tpu.memory_space<vmem>>)
      tpu.yield
    }) : () -> ()
    %dma_start3A_51 = arith.constant 0 : i32
    %dma_start3A_52 = arith.constant 0 : i32
    %dma_start3A_53 = tpu.memref_slice %arg2[%dma_start3A_51, %dma_start3A_52] : memref<8192x128xf32, #tpu.memory_space<hbm>> -> memref<8192x128xf32, #tpu.memory_space<hbm>>
    tpu.enqueue_indirect_dma source(%dma_start3A_53 : memref<8192x128xf32, #tpu.memory_space<hbm>>) target(%arg6 : memref<512x128xf32, #tpu.memory_space<vmem>>) offsets(%arg5 : memref<512xi32, #tpu.memory_space<vmem>>) semaphore(%arg7 : memref<!tpu.dma_semaphore, #tpu.memory_space<semaphore_mem>>)
    %dma_wait3A_54 = arith.constant 0 : i32
    %dma_wait3A_55 = arith.constant 0 : i32
    %dma_wait3A_56 = tpu.memref_slice %arg2[%dma_wait3A_54, %dma_wait3A_55] : memref<8192x128xf32, #tpu.memory_space<hbm>> -> memref<8192x128xf32, #tpu.memory_space<hbm>>
    tpu.wait_indirect_dma semaphore(%arg7 : memref<!tpu.dma_semaphore, #tpu.memory_space<semaphore_mem>>) src(%dma_wait3A_56 : memref<8192x128xf32, #tpu.memory_space<hbm>>) dst(%arg6 : memref<512x128xf32, #tpu.memory_space<vmem>>)
    "tpu.region"() ({
      %run_scoped3A = tpu.sem_alloc : memref<!tpu.dma_semaphore, #tpu.memory_space<semaphore_mem>>
      %dma_start3A_129 = arith.constant 0 : i32
      %dma_start3A_130 = tpu.memref_slice %arg4[%add3A_50, %dma_start3A_129] : memref<262144x128xf32, #tpu.memory_space<hbm>> -> memref<512x128xf32, #tpu.memory_space<hbm>>
      %dma_start3A_131 = arith.constant 0 : i32
      %dma_start3A_132 = tpu.memref_slice %arg4[%add3A_50, %dma_start3A_131] : memref<262144x128xf32, #tpu.memory_space<hbm>> -> memref<512x128xf32, #tpu.memory_space<hbm>>
      tpu.enqueue_dma source(%arg6 : memref<512x128xf32, #tpu.memory_space<vmem>>) target(%dma_start3A_132 : memref<512x128xf32, #tpu.memory_space<hbm>>) target_semaphore(%run_scoped3A : memref<!tpu.dma_semaphore, #tpu.memory_space<semaphore_mem>>)
      %dma_wait3A_133 = arith.constant 0 : i32
      %dma_wait3A_134 = tpu.memref_slice %arg4[%add3A_50, %dma_wait3A_133] : memref<262144x128xf32, #tpu.memory_space<hbm>> -> memref<512x128xf32, #tpu.memory_space<hbm>>
      %dma_wait3A_135 = arith.constant 0 : i32
      %dma_wait3A_136 = tpu.memref_slice %arg4[%add3A_50, %dma_wait3A_135] : memref<262144x128xf32, #tpu.memory_space<hbm>> -> memref<512x128xf32, #tpu.memory_space<hbm>>
      tpu.wait_dma2 semaphore(%run_scoped3A : memref<!tpu.dma_semaphore, #tpu.memory_space<semaphore_mem>>) src(%arg6 : memref<512x128xf32, #tpu.memory_space<vmem>>) dst(%dma_wait3A_136 : memref<512x128xf32, #tpu.memory_space<hbm>>)
      tpu.yield
    }) : () -> ()
    %add3A_57 = arith.constant 3584 : i32
    %add3A_58 = arith.addi %mul3A_2, %add3A_57 : i32
    "tpu.region"() ({
      %run_scoped3A = tpu.sem_alloc : memref<!tpu.dma_semaphore, #tpu.memory_space<semaphore_mem>>
      %dma_start3A_129 = tpu.memref_slice %arg3[%add3A_58] : memref<262144xi32, #tpu.memory_space<hbm>> -> memref<512xi32, #tpu.memory_space<hbm>>
      %dma_start3A_130 = tpu.memref_slice %arg3[%add3A_58] : memref<262144xi32, #tpu.memory_space<hbm>> -> memref<512xi32, #tpu.memory_space<hbm>>
      tpu.enqueue_dma source(%dma_start3A_130 : memref<512xi32, #tpu.memory_space<hbm>>) target(%arg5 : memref<512xi32, #tpu.memory_space<vmem>>) target_semaphore(%run_scoped3A : memref<!tpu.dma_semaphore, #tpu.memory_space<semaphore_mem>>)
      %dma_wait3A_131 = tpu.memref_slice %arg3[%add3A_58] : memref<262144xi32, #tpu.memory_space<hbm>> -> memref<512xi32, #tpu.memory_space<hbm>>
      %dma_wait3A_132 = tpu.memref_slice %arg3[%add3A_58] : memref<262144xi32, #tpu.memory_space<hbm>> -> memref<512xi32, #tpu.memory_space<hbm>>
      tpu.wait_dma2 semaphore(%run_scoped3A : memref<!tpu.dma_semaphore, #tpu.memory_space<semaphore_mem>>) src(%dma_wait3A_132 : memref<512xi32, #tpu.memory_space<hbm>>) dst(%arg5 : memref<512xi32, #tpu.memory_space<vmem>>)
      tpu.yield
    }) : () -> ()
    %dma_start3A_59 = arith.constant 0 : i32
    %dma_start3A_60 = arith.constant 0 : i32
    %dma_start3A_61 = tpu.memref_slice %arg2[%dma_start3A_59, %dma_start3A_60] : memref<8192x128xf32, #tpu.memory_space<hbm>> -> memref<8192x128xf32, #tpu.memory_space<hbm>>
    tpu.enqueue_indirect_dma source(%dma_start3A_61 : memref<8192x128xf32, #tpu.memory_space<hbm>>) target(%arg6 : memref<512x128xf32, #tpu.memory_space<vmem>>) offsets(%arg5 : memref<512xi32, #tpu.memory_space<vmem>>) semaphore(%arg7 : memref<!tpu.dma_semaphore, #tpu.memory_space<semaphore_mem>>)
    %dma_wait3A_62 = arith.constant 0 : i32
    %dma_wait3A_63 = arith.constant 0 : i32
    %dma_wait3A_64 = tpu.memref_slice %arg2[%dma_wait3A_62, %dma_wait3A_63] : memref<8192x128xf32, #tpu.memory_space<hbm>> -> memref<8192x128xf32, #tpu.memory_space<hbm>>
    tpu.wait_indirect_dma semaphore(%arg7 : memref<!tpu.dma_semaphore, #tpu.memory_space<semaphore_mem>>) src(%dma_wait3A_64 : memref<8192x128xf32, #tpu.memory_space<hbm>>) dst(%arg6 : memref<512x128xf32, #tpu.memory_space<vmem>>)
    "tpu.region"() ({
      %run_scoped3A = tpu.sem_alloc : memref<!tpu.dma_semaphore, #tpu.memory_space<semaphore_mem>>
      %dma_start3A_129 = arith.constant 0 : i32
      %dma_start3A_130 = tpu.memref_slice %arg4[%add3A_58, %dma_start3A_129] : memref<262144x128xf32, #tpu.memory_space<hbm>> -> memref<512x128xf32, #tpu.memory_space<hbm>>
      %dma_start3A_131 = arith.constant 0 : i32
      %dma_start3A_132 = tpu.memref_slice %arg4[%add3A_58, %dma_start3A_131] : memref<262144x128xf32, #tpu.memory_space<hbm>> -> memref<512x128xf32, #tpu.memory_space<hbm>>
      tpu.enqueue_dma source(%arg6 : memref<512x128xf32, #tpu.memory_space<vmem>>) target(%dma_start3A_132 : memref<512x128xf32, #tpu.memory_space<hbm>>) target_semaphore(%run_scoped3A : memref<!tpu.dma_semaphore, #tpu.memory_space<semaphore_mem>>)
      %dma_wait3A_133 = arith.constant 0 : i32
      %dma_wait3A_134 = tpu.memref_slice %arg4[%add3A_58, %dma_wait3A_133] : memref<262144x128xf32, #tpu.memory_space<hbm>> -> memref<512x128xf32, #tpu.memory_space<hbm>>
      %dma_wait3A_135 = arith.constant 0 : i32
      %dma_wait3A_136 = tpu.memref_slice %arg4[%add3A_58, %dma_wait3A_135] : memref<262144x128xf32, #tpu.memory_space<hbm>> -> memref<512x128xf32, #tpu.memory_space<hbm>>
      tpu.wait_dma2 semaphore(%run_scoped3A : memref<!tpu.dma_semaphore, #tpu.memory_space<semaphore_mem>>) src(%arg6 : memref<512x128xf32, #tpu.memory_space<vmem>>) dst(%dma_wait3A_136 : memref<512x128xf32, #tpu.memory_space<hbm>>)
      tpu.yield
    }) : () -> ()
    %add3A_65 = arith.constant 4096 : i32
    %add3A_66 = arith.addi %mul3A_2, %add3A_65 : i32
    "tpu.region"() ({
      %run_scoped3A = tpu.sem_alloc : memref<!tpu.dma_semaphore, #tpu.memory_space<semaphore_mem>>
      %dma_start3A_129 = tpu.memref_slice %arg3[%add3A_66] : memref<262144xi32, #tpu.memory_space<hbm>> -> memref<512xi32, #tpu.memory_space<hbm>>
      %dma_start3A_130 = tpu.memref_slice %arg3[%add3A_66] : memref<262144xi32, #tpu.memory_space<hbm>> -> memref<512xi32, #tpu.memory_space<hbm>>
      tpu.enqueue_dma source(%dma_start3A_130 : memref<512xi32, #tpu.memory_space<hbm>>) target(%arg5 : memref<512xi32, #tpu.memory_space<vmem>>) target_semaphore(%run_scoped3A : memref<!tpu.dma_semaphore, #tpu.memory_space<semaphore_mem>>)
      %dma_wait3A_131 = tpu.memref_slice %arg3[%add3A_66] : memref<262144xi32, #tpu.memory_space<hbm>> -> memref<512xi32, #tpu.memory_space<hbm>>
      %dma_wait3A_132 = tpu.memref_slice %arg3[%add3A_66] : memref<262144xi32, #tpu.memory_space<hbm>> -> memref<512xi32, #tpu.memory_space<hbm>>
      tpu.wait_dma2 semaphore(%run_scoped3A : memref<!tpu.dma_semaphore, #tpu.memory_space<semaphore_mem>>) src(%dma_wait3A_132 : memref<512xi32, #tpu.memory_space<hbm>>) dst(%arg5 : memref<512xi32, #tpu.memory_space<vmem>>)
      tpu.yield
    }) : () -> ()
    %dma_start3A_67 = arith.constant 0 : i32
    %dma_start3A_68 = arith.constant 0 : i32
    %dma_start3A_69 = tpu.memref_slice %arg2[%dma_start3A_67, %dma_start3A_68] : memref<8192x128xf32, #tpu.memory_space<hbm>> -> memref<8192x128xf32, #tpu.memory_space<hbm>>
    tpu.enqueue_indirect_dma source(%dma_start3A_69 : memref<8192x128xf32, #tpu.memory_space<hbm>>) target(%arg6 : memref<512x128xf32, #tpu.memory_space<vmem>>) offsets(%arg5 : memref<512xi32, #tpu.memory_space<vmem>>) semaphore(%arg7 : memref<!tpu.dma_semaphore, #tpu.memory_space<semaphore_mem>>)
    %dma_wait3A_70 = arith.constant 0 : i32
    %dma_wait3A_71 = arith.constant 0 : i32
    %dma_wait3A_72 = tpu.memref_slice %arg2[%dma_wait3A_70, %dma_wait3A_71] : memref<8192x128xf32, #tpu.memory_space<hbm>> -> memref<8192x128xf32, #tpu.memory_space<hbm>>
    tpu.wait_indirect_dma semaphore(%arg7 : memref<!tpu.dma_semaphore, #tpu.memory_space<semaphore_mem>>) src(%dma_wait3A_72 : memref<8192x128xf32, #tpu.memory_space<hbm>>) dst(%arg6 : memref<512x128xf32, #tpu.memory_space<vmem>>)
    "tpu.region"() ({
      %run_scoped3A = tpu.sem_alloc : memref<!tpu.dma_semaphore, #tpu.memory_space<semaphore_mem>>
      %dma_start3A_129 = arith.constant 0 : i32
      %dma_start3A_130 = tpu.memref_slice %arg4[%add3A_66, %dma_start3A_129] : memref<262144x128xf32, #tpu.memory_space<hbm>> -> memref<512x128xf32, #tpu.memory_space<hbm>>
      %dma_start3A_131 = arith.constant 0 : i32
      %dma_start3A_132 = tpu.memref_slice %arg4[%add3A_66, %dma_start3A_131] : memref<262144x128xf32, #tpu.memory_space<hbm>> -> memref<512x128xf32, #tpu.memory_space<hbm>>
      tpu.enqueue_dma source(%arg6 : memref<512x128xf32, #tpu.memory_space<vmem>>) target(%dma_start3A_132 : memref<512x128xf32, #tpu.memory_space<hbm>>) target_semaphore(%run_scoped3A : memref<!tpu.dma_semaphore, #tpu.memory_space<semaphore_mem>>)
      %dma_wait3A_133 = arith.constant 0 : i32
      %dma_wait3A_134 = tpu.memref_slice %arg4[%add3A_66, %dma_wait3A_133] : memref<262144x128xf32, #tpu.memory_space<hbm>> -> memref<512x128xf32, #tpu.memory_space<hbm>>
      %dma_wait3A_135 = arith.constant 0 : i32
      %dma_wait3A_136 = tpu.memref_slice %arg4[%add3A_66, %dma_wait3A_135] : memref<262144x128xf32, #tpu.memory_space<hbm>> -> memref<512x128xf32, #tpu.memory_space<hbm>>
      tpu.wait_dma2 semaphore(%run_scoped3A : memref<!tpu.dma_semaphore, #tpu.memory_space<semaphore_mem>>) src(%arg6 : memref<512x128xf32, #tpu.memory_space<vmem>>) dst(%dma_wait3A_136 : memref<512x128xf32, #tpu.memory_space<hbm>>)
      tpu.yield
    }) : () -> ()
    %add3A_73 = arith.constant 4608 : i32
    %add3A_74 = arith.addi %mul3A_2, %add3A_73 : i32
    "tpu.region"() ({
      %run_scoped3A = tpu.sem_alloc : memref<!tpu.dma_semaphore, #tpu.memory_space<semaphore_mem>>
      %dma_start3A_129 = tpu.memref_slice %arg3[%add3A_74] : memref<262144xi32, #tpu.memory_space<hbm>> -> memref<512xi32, #tpu.memory_space<hbm>>
      %dma_start3A_130 = tpu.memref_slice %arg3[%add3A_74] : memref<262144xi32, #tpu.memory_space<hbm>> -> memref<512xi32, #tpu.memory_space<hbm>>
      tpu.enqueue_dma source(%dma_start3A_130 : memref<512xi32, #tpu.memory_space<hbm>>) target(%arg5 : memref<512xi32, #tpu.memory_space<vmem>>) target_semaphore(%run_scoped3A : memref<!tpu.dma_semaphore, #tpu.memory_space<semaphore_mem>>)
      %dma_wait3A_131 = tpu.memref_slice %arg3[%add3A_74] : memref<262144xi32, #tpu.memory_space<hbm>> -> memref<512xi32, #tpu.memory_space<hbm>>
      %dma_wait3A_132 = tpu.memref_slice %arg3[%add3A_74] : memref<262144xi32, #tpu.memory_space<hbm>> -> memref<512xi32, #tpu.memory_space<hbm>>
      tpu.wait_dma2 semaphore(%run_scoped3A : memref<!tpu.dma_semaphore, #tpu.memory_space<semaphore_mem>>) src(%dma_wait3A_132 : memref<512xi32, #tpu.memory_space<hbm>>) dst(%arg5 : memref<512xi32, #tpu.memory_space<vmem>>)
      tpu.yield
    }) : () -> ()
    %dma_start3A_75 = arith.constant 0 : i32
    %dma_start3A_76 = arith.constant 0 : i32
    %dma_start3A_77 = tpu.memref_slice %arg2[%dma_start3A_75, %dma_start3A_76] : memref<8192x128xf32, #tpu.memory_space<hbm>> -> memref<8192x128xf32, #tpu.memory_space<hbm>>
    tpu.enqueue_indirect_dma source(%dma_start3A_77 : memref<8192x128xf32, #tpu.memory_space<hbm>>) target(%arg6 : memref<512x128xf32, #tpu.memory_space<vmem>>) offsets(%arg5 : memref<512xi32, #tpu.memory_space<vmem>>) semaphore(%arg7 : memref<!tpu.dma_semaphore, #tpu.memory_space<semaphore_mem>>)
    %dma_wait3A_78 = arith.constant 0 : i32
    %dma_wait3A_79 = arith.constant 0 : i32
    %dma_wait3A_80 = tpu.memref_slice %arg2[%dma_wait3A_78, %dma_wait3A_79] : memref<8192x128xf32, #tpu.memory_space<hbm>> -> memref<8192x128xf32, #tpu.memory_space<hbm>>
    tpu.wait_indirect_dma semaphore(%arg7 : memref<!tpu.dma_semaphore, #tpu.memory_space<semaphore_mem>>) src(%dma_wait3A_80 : memref<8192x128xf32, #tpu.memory_space<hbm>>) dst(%arg6 : memref<512x128xf32, #tpu.memory_space<vmem>>)
    "tpu.region"() ({
      %run_scoped3A = tpu.sem_alloc : memref<!tpu.dma_semaphore, #tpu.memory_space<semaphore_mem>>
      %dma_start3A_129 = arith.constant 0 : i32
      %dma_start3A_130 = tpu.memref_slice %arg4[%add3A_74, %dma_start3A_129] : memref<262144x128xf32, #tpu.memory_space<hbm>> -> memref<512x128xf32, #tpu.memory_space<hbm>>
      %dma_start3A_131 = arith.constant 0 : i32
      %dma_start3A_132 = tpu.memref_slice %arg4[%add3A_74, %dma_start3A_131] : memref<262144x128xf32, #tpu.memory_space<hbm>> -> memref<512x128xf32, #tpu.memory_space<hbm>>
      tpu.enqueue_dma source(%arg6 : memref<512x128xf32, #tpu.memory_space<vmem>>) target(%dma_start3A_132 : memref<512x128xf32, #tpu.memory_space<hbm>>) target_semaphore(%run_scoped3A : memref<!tpu.dma_semaphore, #tpu.memory_space<semaphore_mem>>)
      %dma_wait3A_133 = arith.constant 0 : i32
      %dma_wait3A_134 = tpu.memref_slice %arg4[%add3A_74, %dma_wait3A_133] : memref<262144x128xf32, #tpu.memory_space<hbm>> -> memref<512x128xf32, #tpu.memory_space<hbm>>
      %dma_wait3A_135 = arith.constant 0 : i32
      %dma_wait3A_136 = tpu.memref_slice %arg4[%add3A_74, %dma_wait3A_135] : memref<262144x128xf32, #tpu.memory_space<hbm>> -> memref<512x128xf32, #tpu.memory_space<hbm>>
      tpu.wait_dma2 semaphore(%run_scoped3A : memref<!tpu.dma_semaphore, #tpu.memory_space<semaphore_mem>>) src(%arg6 : memref<512x128xf32, #tpu.memory_space<vmem>>) dst(%dma_wait3A_136 : memref<512x128xf32, #tpu.memory_space<hbm>>)
      tpu.yield
    }) : () -> ()
    %add3A_81 = arith.constant 5120 : i32
    %add3A_82 = arith.addi %mul3A_2, %add3A_81 : i32
    "tpu.region"() ({
      %run_scoped3A = tpu.sem_alloc : memref<!tpu.dma_semaphore, #tpu.memory_space<semaphore_mem>>
      %dma_start3A_129 = tpu.memref_slice %arg3[%add3A_82] : memref<262144xi32, #tpu.memory_space<hbm>> -> memref<512xi32, #tpu.memory_space<hbm>>
      %dma_start3A_130 = tpu.memref_slice %arg3[%add3A_82] : memref<262144xi32, #tpu.memory_space<hbm>> -> memref<512xi32, #tpu.memory_space<hbm>>
      tpu.enqueue_dma source(%dma_start3A_130 : memref<512xi32, #tpu.memory_space<hbm>>) target(%arg5 : memref<512xi32, #tpu.memory_space<vmem>>) target_semaphore(%run_scoped3A : memref<!tpu.dma_semaphore, #tpu.memory_space<semaphore_mem>>)
      %dma_wait3A_131 = tpu.memref_slice %arg3[%add3A_82] : memref<262144xi32, #tpu.memory_space<hbm>> -> memref<512xi32, #tpu.memory_space<hbm>>
      %dma_wait3A_132 = tpu.memref_slice %arg3[%add3A_82] : memref<262144xi32, #tpu.memory_space<hbm>> -> memref<512xi32, #tpu.memory_space<hbm>>
      tpu.wait_dma2 semaphore(%run_scoped3A : memref<!tpu.dma_semaphore, #tpu.memory_space<semaphore_mem>>) src(%dma_wait3A_132 : memref<512xi32, #tpu.memory_space<hbm>>) dst(%arg5 : memref<512xi32, #tpu.memory_space<vmem>>)
      tpu.yield
    }) : () -> ()
    %dma_start3A_83 = arith.constant 0 : i32
    %dma_start3A_84 = arith.constant 0 : i32
    %dma_start3A_85 = tpu.memref_slice %arg2[%dma_start3A_83, %dma_start3A_84] : memref<8192x128xf32, #tpu.memory_space<hbm>> -> memref<8192x128xf32, #tpu.memory_space<hbm>>
    tpu.enqueue_indirect_dma source(%dma_start3A_85 : memref<8192x128xf32, #tpu.memory_space<hbm>>) target(%arg6 : memref<512x128xf32, #tpu.memory_space<vmem>>) offsets(%arg5 : memref<512xi32, #tpu.memory_space<vmem>>) semaphore(%arg7 : memref<!tpu.dma_semaphore, #tpu.memory_space<semaphore_mem>>)
    %dma_wait3A_86 = arith.constant 0 : i32
    %dma_wait3A_87 = arith.constant 0 : i32
    %dma_wait3A_88 = tpu.memref_slice %arg2[%dma_wait3A_86, %dma_wait3A_87] : memref<8192x128xf32, #tpu.memory_space<hbm>> -> memref<8192x128xf32, #tpu.memory_space<hbm>>
    tpu.wait_indirect_dma semaphore(%arg7 : memref<!tpu.dma_semaphore, #tpu.memory_space<semaphore_mem>>) src(%dma_wait3A_88 : memref<8192x128xf32, #tpu.memory_space<hbm>>) dst(%arg6 : memref<512x128xf32, #tpu.memory_space<vmem>>)
    "tpu.region"() ({
      %run_scoped3A = tpu.sem_alloc : memref<!tpu.dma_semaphore, #tpu.memory_space<semaphore_mem>>
      %dma_start3A_129 = arith.constant 0 : i32
      %dma_start3A_130 = tpu.memref_slice %arg4[%add3A_82, %dma_start3A_129] : memref<262144x128xf32, #tpu.memory_space<hbm>> -> memref<512x128xf32, #tpu.memory_space<hbm>>
      %dma_start3A_131 = arith.constant 0 : i32
      %dma_start3A_132 = tpu.memref_slice %arg4[%add3A_82, %dma_start3A_131] : memref<262144x128xf32, #tpu.memory_space<hbm>> -> memref<512x128xf32, #tpu.memory_space<hbm>>
      tpu.enqueue_dma source(%arg6 : memref<512x128xf32, #tpu.memory_space<vmem>>) target(%dma_start3A_132 : memref<512x128xf32, #tpu.memory_space<hbm>>) target_semaphore(%run_scoped3A : memref<!tpu.dma_semaphore, #tpu.memory_space<semaphore_mem>>)
      %dma_wait3A_133 = arith.constant 0 : i32
      %dma_wait3A_134 = tpu.memref_slice %arg4[%add3A_82, %dma_wait3A_133] : memref<262144x128xf32, #tpu.memory_space<hbm>> -> memref<512x128xf32, #tpu.memory_space<hbm>>
      %dma_wait3A_135 = arith.constant 0 : i32
      %dma_wait3A_136 = tpu.memref_slice %arg4[%add3A_82, %dma_wait3A_135] : memref<262144x128xf32, #tpu.memory_space<hbm>> -> memref<512x128xf32, #tpu.memory_space<hbm>>
      tpu.wait_dma2 semaphore(%run_scoped3A : memref<!tpu.dma_semaphore, #tpu.memory_space<semaphore_mem>>) src(%arg6 : memref<512x128xf32, #tpu.memory_space<vmem>>) dst(%dma_wait3A_136 : memref<512x128xf32, #tpu.memory_space<hbm>>)
      tpu.yield
    }) : () -> ()
    %add3A_89 = arith.constant 5632 : i32
    %add3A_90 = arith.addi %mul3A_2, %add3A_89 : i32
    "tpu.region"() ({
      %run_scoped3A = tpu.sem_alloc : memref<!tpu.dma_semaphore, #tpu.memory_space<semaphore_mem>>
      %dma_start3A_129 = tpu.memref_slice %arg3[%add3A_90] : memref<262144xi32, #tpu.memory_space<hbm>> -> memref<512xi32, #tpu.memory_space<hbm>>
      %dma_start3A_130 = tpu.memref_slice %arg3[%add3A_90] : memref<262144xi32, #tpu.memory_space<hbm>> -> memref<512xi32, #tpu.memory_space<hbm>>
      tpu.enqueue_dma source(%dma_start3A_130 : memref<512xi32, #tpu.memory_space<hbm>>) target(%arg5 : memref<512xi32, #tpu.memory_space<vmem>>) target_semaphore(%run_scoped3A : memref<!tpu.dma_semaphore, #tpu.memory_space<semaphore_mem>>)
      %dma_wait3A_131 = tpu.memref_slice %arg3[%add3A_90] : memref<262144xi32, #tpu.memory_space<hbm>> -> memref<512xi32, #tpu.memory_space<hbm>>
      %dma_wait3A_132 = tpu.memref_slice %arg3[%add3A_90] : memref<262144xi32, #tpu.memory_space<hbm>> -> memref<512xi32, #tpu.memory_space<hbm>>
      tpu.wait_dma2 semaphore(%run_scoped3A : memref<!tpu.dma_semaphore, #tpu.memory_space<semaphore_mem>>) src(%dma_wait3A_132 : memref<512xi32, #tpu.memory_space<hbm>>) dst(%arg5 : memref<512xi32, #tpu.memory_space<vmem>>)
      tpu.yield
    }) : () -> ()
    %dma_start3A_91 = arith.constant 0 : i32
    %dma_start3A_92 = arith.constant 0 : i32
    %dma_start3A_93 = tpu.memref_slice %arg2[%dma_start3A_91, %dma_start3A_92] : memref<8192x128xf32, #tpu.memory_space<hbm>> -> memref<8192x128xf32, #tpu.memory_space<hbm>>
    tpu.enqueue_indirect_dma source(%dma_start3A_93 : memref<8192x128xf32, #tpu.memory_space<hbm>>) target(%arg6 : memref<512x128xf32, #tpu.memory_space<vmem>>) offsets(%arg5 : memref<512xi32, #tpu.memory_space<vmem>>) semaphore(%arg7 : memref<!tpu.dma_semaphore, #tpu.memory_space<semaphore_mem>>)
    %dma_wait3A_94 = arith.constant 0 : i32
    %dma_wait3A_95 = arith.constant 0 : i32
    %dma_wait3A_96 = tpu.memref_slice %arg2[%dma_wait3A_94, %dma_wait3A_95] : memref<8192x128xf32, #tpu.memory_space<hbm>> -> memref<8192x128xf32, #tpu.memory_space<hbm>>
    tpu.wait_indirect_dma semaphore(%arg7 : memref<!tpu.dma_semaphore, #tpu.memory_space<semaphore_mem>>) src(%dma_wait3A_96 : memref<8192x128xf32, #tpu.memory_space<hbm>>) dst(%arg6 : memref<512x128xf32, #tpu.memory_space<vmem>>)
    "tpu.region"() ({
      %run_scoped3A = tpu.sem_alloc : memref<!tpu.dma_semaphore, #tpu.memory_space<semaphore_mem>>
      %dma_start3A_129 = arith.constant 0 : i32
      %dma_start3A_130 = tpu.memref_slice %arg4[%add3A_90, %dma_start3A_129] : memref<262144x128xf32, #tpu.memory_space<hbm>> -> memref<512x128xf32, #tpu.memory_space<hbm>>
      %dma_start3A_131 = arith.constant 0 : i32
      %dma_start3A_132 = tpu.memref_slice %arg4[%add3A_90, %dma_start3A_131] : memref<262144x128xf32, #tpu.memory_space<hbm>> -> memref<512x128xf32, #tpu.memory_space<hbm>>
      tpu.enqueue_dma source(%arg6 : memref<512x128xf32, #tpu.memory_space<vmem>>) target(%dma_start3A_132 : memref<512x128xf32, #tpu.memory_space<hbm>>) target_semaphore(%run_scoped3A : memref<!tpu.dma_semaphore, #tpu.memory_space<semaphore_mem>>)
      %dma_wait3A_133 = arith.constant 0 : i32
      %dma_wait3A_134 = tpu.memref_slice %arg4[%add3A_90, %dma_wait3A_133] : memref<262144x128xf32, #tpu.memory_space<hbm>> -> memref<512x128xf32, #tpu.memory_space<hbm>>
      %dma_wait3A_135 = arith.constant 0 : i32
      %dma_wait3A_136 = tpu.memref_slice %arg4[%add3A_90, %dma_wait3A_135] : memref<262144x128xf32, #tpu.memory_space<hbm>> -> memref<512x128xf32, #tpu.memory_space<hbm>>
      tpu.wait_dma2 semaphore(%run_scoped3A : memref<!tpu.dma_semaphore, #tpu.memory_space<semaphore_mem>>) src(%arg6 : memref<512x128xf32, #tpu.memory_space<vmem>>) dst(%dma_wait3A_136 : memref<512x128xf32, #tpu.memory_space<hbm>>)
      tpu.yield
    }) : () -> ()
    %add3A_97 = arith.constant 6144 : i32
    %add3A_98 = arith.addi %mul3A_2, %add3A_97 : i32
    "tpu.region"() ({
      %run_scoped3A = tpu.sem_alloc : memref<!tpu.dma_semaphore, #tpu.memory_space<semaphore_mem>>
      %dma_start3A_129 = tpu.memref_slice %arg3[%add3A_98] : memref<262144xi32, #tpu.memory_space<hbm>> -> memref<512xi32, #tpu.memory_space<hbm>>
      %dma_start3A_130 = tpu.memref_slice %arg3[%add3A_98] : memref<262144xi32, #tpu.memory_space<hbm>> -> memref<512xi32, #tpu.memory_space<hbm>>
      tpu.enqueue_dma source(%dma_start3A_130 : memref<512xi32, #tpu.memory_space<hbm>>) target(%arg5 : memref<512xi32, #tpu.memory_space<vmem>>) target_semaphore(%run_scoped3A : memref<!tpu.dma_semaphore, #tpu.memory_space<semaphore_mem>>)
      %dma_wait3A_131 = tpu.memref_slice %arg3[%add3A_98] : memref<262144xi32, #tpu.memory_space<hbm>> -> memref<512xi32, #tpu.memory_space<hbm>>
      %dma_wait3A_132 = tpu.memref_slice %arg3[%add3A_98] : memref<262144xi32, #tpu.memory_space<hbm>> -> memref<512xi32, #tpu.memory_space<hbm>>
      tpu.wait_dma2 semaphore(%run_scoped3A : memref<!tpu.dma_semaphore, #tpu.memory_space<semaphore_mem>>) src(%dma_wait3A_132 : memref<512xi32, #tpu.memory_space<hbm>>) dst(%arg5 : memref<512xi32, #tpu.memory_space<vmem>>)
      tpu.yield
    }) : () -> ()
    %dma_start3A_99 = arith.constant 0 : i32
    %dma_start3A_100 = arith.constant 0 : i32
    %dma_start3A_101 = tpu.memref_slice %arg2[%dma_start3A_99, %dma_start3A_100] : memref<8192x128xf32, #tpu.memory_space<hbm>> -> memref<8192x128xf32, #tpu.memory_space<hbm>>
    tpu.enqueue_indirect_dma source(%dma_start3A_101 : memref<8192x128xf32, #tpu.memory_space<hbm>>) target(%arg6 : memref<512x128xf32, #tpu.memory_space<vmem>>) offsets(%arg5 : memref<512xi32, #tpu.memory_space<vmem>>) semaphore(%arg7 : memref<!tpu.dma_semaphore, #tpu.memory_space<semaphore_mem>>)
    %dma_wait3A_102 = arith.constant 0 : i32
    %dma_wait3A_103 = arith.constant 0 : i32
    %dma_wait3A_104 = tpu.memref_slice %arg2[%dma_wait3A_102, %dma_wait3A_103] : memref<8192x128xf32, #tpu.memory_space<hbm>> -> memref<8192x128xf32, #tpu.memory_space<hbm>>
    tpu.wait_indirect_dma semaphore(%arg7 : memref<!tpu.dma_semaphore, #tpu.memory_space<semaphore_mem>>) src(%dma_wait3A_104 : memref<8192x128xf32, #tpu.memory_space<hbm>>) dst(%arg6 : memref<512x128xf32, #tpu.memory_space<vmem>>)
    "tpu.region"() ({
      %run_scoped3A = tpu.sem_alloc : memref<!tpu.dma_semaphore, #tpu.memory_space<semaphore_mem>>
      %dma_start3A_129 = arith.constant 0 : i32
      %dma_start3A_130 = tpu.memref_slice %arg4[%add3A_98, %dma_start3A_129] : memref<262144x128xf32, #tpu.memory_space<hbm>> -> memref<512x128xf32, #tpu.memory_space<hbm>>
      %dma_start3A_131 = arith.constant 0 : i32
      %dma_start3A_132 = tpu.memref_slice %arg4[%add3A_98, %dma_start3A_131] : memref<262144x128xf32, #tpu.memory_space<hbm>> -> memref<512x128xf32, #tpu.memory_space<hbm>>
      tpu.enqueue_dma source(%arg6 : memref<512x128xf32, #tpu.memory_space<vmem>>) target(%dma_start3A_132 : memref<512x128xf32, #tpu.memory_space<hbm>>) target_semaphore(%run_scoped3A : memref<!tpu.dma_semaphore, #tpu.memory_space<semaphore_mem>>)
      %dma_wait3A_133 = arith.constant 0 : i32
      %dma_wait3A_134 = tpu.memref_slice %arg4[%add3A_98, %dma_wait3A_133] : memref<262144x128xf32, #tpu.memory_space<hbm>> -> memref<512x128xf32, #tpu.memory_space<hbm>>
      %dma_wait3A_135 = arith.constant 0 : i32
      %dma_wait3A_136 = tpu.memref_slice %arg4[%add3A_98, %dma_wait3A_135] : memref<262144x128xf32, #tpu.memory_space<hbm>> -> memref<512x128xf32, #tpu.memory_space<hbm>>
      tpu.wait_dma2 semaphore(%run_scoped3A : memref<!tpu.dma_semaphore, #tpu.memory_space<semaphore_mem>>) src(%arg6 : memref<512x128xf32, #tpu.memory_space<vmem>>) dst(%dma_wait3A_136 : memref<512x128xf32, #tpu.memory_space<hbm>>)
      tpu.yield
    }) : () -> ()
    %add3A_105 = arith.constant 6656 : i32
    %add3A_106 = arith.addi %mul3A_2, %add3A_105 : i32
    "tpu.region"() ({
      %run_scoped3A = tpu.sem_alloc : memref<!tpu.dma_semaphore, #tpu.memory_space<semaphore_mem>>
      %dma_start3A_129 = tpu.memref_slice %arg3[%add3A_106] : memref<262144xi32, #tpu.memory_space<hbm>> -> memref<512xi32, #tpu.memory_space<hbm>>
      %dma_start3A_130 = tpu.memref_slice %arg3[%add3A_106] : memref<262144xi32, #tpu.memory_space<hbm>> -> memref<512xi32, #tpu.memory_space<hbm>>
      tpu.enqueue_dma source(%dma_start3A_130 : memref<512xi32, #tpu.memory_space<hbm>>) target(%arg5 : memref<512xi32, #tpu.memory_space<vmem>>) target_semaphore(%run_scoped3A : memref<!tpu.dma_semaphore, #tpu.memory_space<semaphore_mem>>)
      %dma_wait3A_131 = tpu.memref_slice %arg3[%add3A_106] : memref<262144xi32, #tpu.memory_space<hbm>> -> memref<512xi32, #tpu.memory_space<hbm>>
      %dma_wait3A_132 = tpu.memref_slice %arg3[%add3A_106] : memref<262144xi32, #tpu.memory_space<hbm>> -> memref<512xi32, #tpu.memory_space<hbm>>
      tpu.wait_dma2 semaphore(%run_scoped3A : memref<!tpu.dma_semaphore, #tpu.memory_space<semaphore_mem>>) src(%dma_wait3A_132 : memref<512xi32, #tpu.memory_space<hbm>>) dst(%arg5 : memref<512xi32, #tpu.memory_space<vmem>>)
      tpu.yield
    }) : () -> ()
    %dma_start3A_107 = arith.constant 0 : i32
    %dma_start3A_108 = arith.constant 0 : i32
    %dma_start3A_109 = tpu.memref_slice %arg2[%dma_start3A_107, %dma_start3A_108] : memref<8192x128xf32, #tpu.memory_space<hbm>> -> memref<8192x128xf32, #tpu.memory_space<hbm>>
    tpu.enqueue_indirect_dma source(%dma_start3A_109 : memref<8192x128xf32, #tpu.memory_space<hbm>>) target(%arg6 : memref<512x128xf32, #tpu.memory_space<vmem>>) offsets(%arg5 : memref<512xi32, #tpu.memory_space<vmem>>) semaphore(%arg7 : memref<!tpu.dma_semaphore, #tpu.memory_space<semaphore_mem>>)
    %dma_wait3A_110 = arith.constant 0 : i32
    %dma_wait3A_111 = arith.constant 0 : i32
    %dma_wait3A_112 = tpu.memref_slice %arg2[%dma_wait3A_110, %dma_wait3A_111] : memref<8192x128xf32, #tpu.memory_space<hbm>> -> memref<8192x128xf32, #tpu.memory_space<hbm>>
    tpu.wait_indirect_dma semaphore(%arg7 : memref<!tpu.dma_semaphore, #tpu.memory_space<semaphore_mem>>) src(%dma_wait3A_112 : memref<8192x128xf32, #tpu.memory_space<hbm>>) dst(%arg6 : memref<512x128xf32, #tpu.memory_space<vmem>>)
    "tpu.region"() ({
      %run_scoped3A = tpu.sem_alloc : memref<!tpu.dma_semaphore, #tpu.memory_space<semaphore_mem>>
      %dma_start3A_129 = arith.constant 0 : i32
      %dma_start3A_130 = tpu.memref_slice %arg4[%add3A_106, %dma_start3A_129] : memref<262144x128xf32, #tpu.memory_space<hbm>> -> memref<512x128xf32, #tpu.memory_space<hbm>>
      %dma_start3A_131 = arith.constant 0 : i32
      %dma_start3A_132 = tpu.memref_slice %arg4[%add3A_106, %dma_start3A_131] : memref<262144x128xf32, #tpu.memory_space<hbm>> -> memref<512x128xf32, #tpu.memory_space<hbm>>
      tpu.enqueue_dma source(%arg6 : memref<512x128xf32, #tpu.memory_space<vmem>>) target(%dma_start3A_132 : memref<512x128xf32, #tpu.memory_space<hbm>>) target_semaphore(%run_scoped3A : memref<!tpu.dma_semaphore, #tpu.memory_space<semaphore_mem>>)
      %dma_wait3A_133 = arith.constant 0 : i32
      %dma_wait3A_134 = tpu.memref_slice %arg4[%add3A_106, %dma_wait3A_133] : memref<262144x128xf32, #tpu.memory_space<hbm>> -> memref<512x128xf32, #tpu.memory_space<hbm>>
      %dma_wait3A_135 = arith.constant 0 : i32
      %dma_wait3A_136 = tpu.memref_slice %arg4[%add3A_106, %dma_wait3A_135] : memref<262144x128xf32, #tpu.memory_space<hbm>> -> memref<512x128xf32, #tpu.memory_space<hbm>>
      tpu.wait_dma2 semaphore(%run_scoped3A : memref<!tpu.dma_semaphore, #tpu.memory_space<semaphore_mem>>) src(%arg6 : memref<512x128xf32, #tpu.memory_space<vmem>>) dst(%dma_wait3A_136 : memref<512x128xf32, #tpu.memory_space<hbm>>)
      tpu.yield
    }) : () -> ()
    %add3A_113 = arith.constant 7168 : i32
    %add3A_114 = arith.addi %mul3A_2, %add3A_113 : i32
    "tpu.region"() ({
      %run_scoped3A = tpu.sem_alloc : memref<!tpu.dma_semaphore, #tpu.memory_space<semaphore_mem>>
      %dma_start3A_129 = tpu.memref_slice %arg3[%add3A_114] : memref<262144xi32, #tpu.memory_space<hbm>> -> memref<512xi32, #tpu.memory_space<hbm>>
      %dma_start3A_130 = tpu.memref_slice %arg3[%add3A_114] : memref<262144xi32, #tpu.memory_space<hbm>> -> memref<512xi32, #tpu.memory_space<hbm>>
      tpu.enqueue_dma source(%dma_start3A_130 : memref<512xi32, #tpu.memory_space<hbm>>) target(%arg5 : memref<512xi32, #tpu.memory_space<vmem>>) target_semaphore(%run_scoped3A : memref<!tpu.dma_semaphore, #tpu.memory_space<semaphore_mem>>)
      %dma_wait3A_131 = tpu.memref_slice %arg3[%add3A_114] : memref<262144xi32, #tpu.memory_space<hbm>> -> memref<512xi32, #tpu.memory_space<hbm>>
      %dma_wait3A_132 = tpu.memref_slice %arg3[%add3A_114] : memref<262144xi32, #tpu.memory_space<hbm>> -> memref<512xi32, #tpu.memory_space<hbm>>
      tpu.wait_dma2 semaphore(%run_scoped3A : memref<!tpu.dma_semaphore, #tpu.memory_space<semaphore_mem>>) src(%dma_wait3A_132 : memref<512xi32, #tpu.memory_space<hbm>>) dst(%arg5 : memref<512xi32, #tpu.memory_space<vmem>>)
      tpu.yield
    }) : () -> ()
    %dma_start3A_115 = arith.constant 0 : i32
    %dma_start3A_116 = arith.constant 0 : i32
    %dma_start3A_117 = tpu.memref_slice %arg2[%dma_start3A_115, %dma_start3A_116] : memref<8192x128xf32, #tpu.memory_space<hbm>> -> memref<8192x128xf32, #tpu.memory_space<hbm>>
    tpu.enqueue_indirect_dma source(%dma_start3A_117 : memref<8192x128xf32, #tpu.memory_space<hbm>>) target(%arg6 : memref<512x128xf32, #tpu.memory_space<vmem>>) offsets(%arg5 : memref<512xi32, #tpu.memory_space<vmem>>) semaphore(%arg7 : memref<!tpu.dma_semaphore, #tpu.memory_space<semaphore_mem>>)
    %dma_wait3A_118 = arith.constant 0 : i32
    %dma_wait3A_119 = arith.constant 0 : i32
    %dma_wait3A_120 = tpu.memref_slice %arg2[%dma_wait3A_118, %dma_wait3A_119] : memref<8192x128xf32, #tpu.memory_space<hbm>> -> memref<8192x128xf32, #tpu.memory_space<hbm>>
    tpu.wait_indirect_dma semaphore(%arg7 : memref<!tpu.dma_semaphore, #tpu.memory_space<semaphore_mem>>) src(%dma_wait3A_120 : memref<8192x128xf32, #tpu.memory_space<hbm>>) dst(%arg6 : memref<512x128xf32, #tpu.memory_space<vmem>>)
    "tpu.region"() ({
      %run_scoped3A = tpu.sem_alloc : memref<!tpu.dma_semaphore, #tpu.memory_space<semaphore_mem>>
      %dma_start3A_129 = arith.constant 0 : i32
      %dma_start3A_130 = tpu.memref_slice %arg4[%add3A_114, %dma_start3A_129] : memref<262144x128xf32, #tpu.memory_space<hbm>> -> memref<512x128xf32, #tpu.memory_space<hbm>>
      %dma_start3A_131 = arith.constant 0 : i32
      %dma_start3A_132 = tpu.memref_slice %arg4[%add3A_114, %dma_start3A_131] : memref<262144x128xf32, #tpu.memory_space<hbm>> -> memref<512x128xf32, #tpu.memory_space<hbm>>
      tpu.enqueue_dma source(%arg6 : memref<512x128xf32, #tpu.memory_space<vmem>>) target(%dma_start3A_132 : memref<512x128xf32, #tpu.memory_space<hbm>>) target_semaphore(%run_scoped3A : memref<!tpu.dma_semaphore, #tpu.memory_space<semaphore_mem>>)
      %dma_wait3A_133 = arith.constant 0 : i32
      %dma_wait3A_134 = tpu.memref_slice %arg4[%add3A_114, %dma_wait3A_133] : memref<262144x128xf32, #tpu.memory_space<hbm>> -> memref<512x128xf32, #tpu.memory_space<hbm>>
      %dma_wait3A_135 = arith.constant 0 : i32
      %dma_wait3A_136 = tpu.memref_slice %arg4[%add3A_114, %dma_wait3A_135] : memref<262144x128xf32, #tpu.memory_space<hbm>> -> memref<512x128xf32, #tpu.memory_space<hbm>>
      tpu.wait_dma2 semaphore(%run_scoped3A : memref<!tpu.dma_semaphore, #tpu.memory_space<semaphore_mem>>) src(%arg6 : memref<512x128xf32, #tpu.memory_space<vmem>>) dst(%dma_wait3A_136 : memref<512x128xf32, #tpu.memory_space<hbm>>)
      tpu.yield
    }) : () -> ()
    %add3A_121 = arith.constant 7680 : i32
    %add3A_122 = arith.addi %mul3A_2, %add3A_121 : i32
    "tpu.region"() ({
      %run_scoped3A = tpu.sem_alloc : memref<!tpu.dma_semaphore, #tpu.memory_space<semaphore_mem>>
      %dma_start3A_129 = tpu.memref_slice %arg3[%add3A_122] : memref<262144xi32, #tpu.memory_space<hbm>> -> memref<512xi32, #tpu.memory_space<hbm>>
      %dma_start3A_130 = tpu.memref_slice %arg3[%add3A_122] : memref<262144xi32, #tpu.memory_space<hbm>> -> memref<512xi32, #tpu.memory_space<hbm>>
      tpu.enqueue_dma source(%dma_start3A_130 : memref<512xi32, #tpu.memory_space<hbm>>) target(%arg5 : memref<512xi32, #tpu.memory_space<vmem>>) target_semaphore(%run_scoped3A : memref<!tpu.dma_semaphore, #tpu.memory_space<semaphore_mem>>)
      %dma_wait3A_131 = tpu.memref_slice %arg3[%add3A_122] : memref<262144xi32, #tpu.memory_space<hbm>> -> memref<512xi32, #tpu.memory_space<hbm>>
      %dma_wait3A_132 = tpu.memref_slice %arg3[%add3A_122] : memref<262144xi32, #tpu.memory_space<hbm>> -> memref<512xi32, #tpu.memory_space<hbm>>
      tpu.wait_dma2 semaphore(%run_scoped3A : memref<!tpu.dma_semaphore, #tpu.memory_space<semaphore_mem>>) src(%dma_wait3A_132 : memref<512xi32, #tpu.memory_space<hbm>>) dst(%arg5 : memref<512xi32, #tpu.memory_space<vmem>>)
      tpu.yield
    }) : () -> ()
    %dma_start3A_123 = arith.constant 0 : i32
    %dma_start3A_124 = arith.constant 0 : i32
    %dma_start3A_125 = tpu.memref_slice %arg2[%dma_start3A_123, %dma_start3A_124] : memref<8192x128xf32, #tpu.memory_space<hbm>> -> memref<8192x128xf32, #tpu.memory_space<hbm>>
    tpu.enqueue_indirect_dma source(%dma_start3A_125 : memref<8192x128xf32, #tpu.memory_space<hbm>>) target(%arg6 : memref<512x128xf32, #tpu.memory_space<vmem>>) offsets(%arg5 : memref<512xi32, #tpu.memory_space<vmem>>) semaphore(%arg7 : memref<!tpu.dma_semaphore, #tpu.memory_space<semaphore_mem>>)
    %dma_wait3A_126 = arith.constant 0 : i32
    %dma_wait3A_127 = arith.constant 0 : i32
    %dma_wait3A_128 = tpu.memref_slice %arg2[%dma_wait3A_126, %dma_wait3A_127] : memref<8192x128xf32, #tpu.memory_space<hbm>> -> memref<8192x128xf32, #tpu.memory_space<hbm>>
    tpu.wait_indirect_dma semaphore(%arg7 : memref<!tpu.dma_semaphore, #tpu.memory_space<semaphore_mem>>) src(%dma_wait3A_128 : memref<8192x128xf32, #tpu.memory_space<hbm>>) dst(%arg6 : memref<512x128xf32, #tpu.memory_space<vmem>>)
    "tpu.region"() ({
      %run_scoped3A = tpu.sem_alloc : memref<!tpu.dma_semaphore, #tpu.memory_space<semaphore_mem>>
      %dma_start3A_129 = arith.constant 0 : i32
      %dma_start3A_130 = tpu.memref_slice %arg4[%add3A_122, %dma_start3A_129] : memref<262144x128xf32, #tpu.memory_space<hbm>> -> memref<512x128xf32, #tpu.memory_space<hbm>>
      %dma_start3A_131 = arith.constant 0 : i32
      %dma_start3A_132 = tpu.memref_slice %arg4[%add3A_122, %dma_start3A_131] : memref<262144x128xf32, #tpu.memory_space<hbm>> -> memref<512x128xf32, #tpu.memory_space<hbm>>
      tpu.enqueue_dma source(%arg6 : memref<512x128xf32, #tpu.memory_space<vmem>>) target(%dma_start3A_132 : memref<512x128xf32, #tpu.memory_space<hbm>>) target_semaphore(%run_scoped3A : memref<!tpu.dma_semaphore, #tpu.memory_space<semaphore_mem>>)
      %dma_wait3A_133 = arith.constant 0 : i32
      %dma_wait3A_134 = tpu.memref_slice %arg4[%add3A_122, %dma_wait3A_133] : memref<262144x128xf32, #tpu.memory_space<hbm>> -> memref<512x128xf32, #tpu.memory_space<hbm>>
      %dma_wait3A_135 = arith.constant 0 : i32
      %dma_wait3A_136 = tpu.memref_slice %arg4[%add3A_122, %dma_wait3A_135] : memref<262144x128xf32, #tpu.memory_space<hbm>> -> memref<512x128xf32, #tpu.memory_space<hbm>>
      tpu.wait_dma2 semaphore(%run_scoped3A : memref<!tpu.dma_semaphore, #tpu.memory_space<semaphore_mem>>) src(%arg6 : memref<512x128xf32, #tpu.memory_space<vmem>>) dst(%dma_wait3A_136 : memref<512x128xf32, #tpu.memory_space<hbm>>)
      tpu.yield
    }) : () -> ()
    return
  }
}

module attributes {stable_mosaic.version = 14 : i64} {
  func.func @_knn_kernel(%arg0: i32, %arg1: memref<1x2048x3xf32, #tpu.memory_space<vmem>>, %arg2: memref<1x3x512xf32, #tpu.memory_space<vmem>>, %arg3: memref<1x2048x8xi32, #tpu.memory_space<vmem>>) attributes {dimension_semantics = [#tpu.dimension_semantics<arbitrary>], iteration_bounds = array<i64: 16>, scalar_prefetch = 0 : i64, scratch_operands = 0 : i64, tpu.core_type = #tpu.core_type<tc>, window_params = [{transform_indices = @transform_0, window_bounds = array<i64: 1, 2048, 3>}, {transform_indices = @transform_1, window_bounds = array<i64: 1, 3, 512>}, {transform_indices = @transform_2, window_bounds = array<i64: 1, 2048, 8>}]} {
    %get3A = arith.constant 0 : index
    %get3A_0 = arith.constant 0 : index
    %get3A_1 = arith.constant 0 : index
    %get3A_2 = vector.load %arg1[%get3A, %get3A_0, %get3A_1] : memref<1x2048x3xf32, #tpu.memory_space<vmem>>, vector<1x2048x3xf32>
    %get3A_3 = vector.shape_cast %get3A_2 : vector<1x2048x3xf32> to vector<2048x3xf32>
    %get3A_4 = arith.constant 0 : index
    %get3A_5 = arith.constant 0 : index
    %get3A_6 = arith.constant 0 : index
    %get3A_7 = vector.load %arg2[%get3A_4, %get3A_5, %get3A_6] : memref<1x3x512xf32, #tpu.memory_space<vmem>>, vector<1x3x512xf32>
    %get3A_8 = vector.shape_cast %get3A_7 : vector<1x3x512xf32> to vector<3x512xf32>
    %slice3A = vector.extract_strided_slice %get3A_3 {offsets = [0, 0], sizes = [2048, 1], strides = [1, 1]} : vector<2048x3xf32> to vector<2048x1xf32>
    %slice3A_9 = vector.extract_strided_slice %get3A_8 {offsets = [0, 0], sizes = [1, 512], strides = [1, 1]} : vector<3x512xf32> to vector<1x512xf32>
    %sub3A = vector.broadcast %slice3A : vector<2048x1xf32> to vector<2048x512xf32>
    %sub3A_10 = vector.broadcast %slice3A_9 : vector<1x512xf32> to vector<2048x512xf32>
    %sub3A_11 = arith.subf %sub3A, %sub3A_10 : vector<2048x512xf32>
    %mul3A = arith.mulf %sub3A_11, %sub3A_11 : vector<2048x512xf32>
    %slice3A_12 = vector.extract_strided_slice %get3A_3 {offsets = [0, 1], sizes = [2048, 1], strides = [1, 1]} : vector<2048x3xf32> to vector<2048x1xf32>
    %slice3A_13 = vector.extract_strided_slice %get3A_8 {offsets = [1, 0], sizes = [1, 512], strides = [1, 1]} : vector<3x512xf32> to vector<1x512xf32>
    %sub3A_14 = vector.broadcast %slice3A_12 : vector<2048x1xf32> to vector<2048x512xf32>
    %sub3A_15 = vector.broadcast %slice3A_13 : vector<1x512xf32> to vector<2048x512xf32>
    %sub3A_16 = arith.subf %sub3A_14, %sub3A_15 : vector<2048x512xf32>
    %mul3A_17 = arith.mulf %sub3A_16, %sub3A_16 : vector<2048x512xf32>
    %add3A = arith.addf %mul3A, %mul3A_17 : vector<2048x512xf32>
    %slice3A_18 = vector.extract_strided_slice %get3A_3 {offsets = [0, 2], sizes = [2048, 1], strides = [1, 1]} : vector<2048x3xf32> to vector<2048x1xf32>
    %slice3A_19 = vector.extract_strided_slice %get3A_8 {offsets = [2, 0], sizes = [1, 512], strides = [1, 1]} : vector<3x512xf32> to vector<1x512xf32>
    %sub3A_20 = vector.broadcast %slice3A_18 : vector<2048x1xf32> to vector<2048x512xf32>
    %sub3A_21 = vector.broadcast %slice3A_19 : vector<1x512xf32> to vector<2048x512xf32>
    %sub3A_22 = arith.subf %sub3A_20, %sub3A_21 : vector<2048x512xf32>
    %mul3A_23 = arith.mulf %sub3A_22, %sub3A_22 : vector<2048x512xf32>
    %add3A_24 = arith.addf %add3A, %mul3A_23 : vector<2048x512xf32>
    %iota3A = tpu.iota {dimensions = array<i32: 1>} : vector<2048x512xi32>
    %argmin3A = tpu.reduce_index %add3A_24 {axis = 1 : i32, kind = #tpu.reduction_kind<arg_min>} : vector<2048x512xf32> -> vector<2048xi32>
    %broadcast_in_dim3A = vector.shape_cast %argmin3A : vector<2048xi32> to vector<2048x1xi32>
    %eq3A = vector.broadcast %broadcast_in_dim3A : vector<2048x1xi32> to vector<2048x512xi32>
    %eq3A_25 = arith.cmpi eq, %iota3A, %eq3A : vector<2048x512xi32>
    %jit3A = arith.constant 3.000000e+38 : f32
    %broadcast_in_dim3A_26 = vector.broadcast %jit3A : f32 to vector<2048x512xf32>
    %select_n3A = arith.select %eq3A_25, %broadcast_in_dim3A_26, %add3A_24 : vector<2048x512xi1>, vector<2048x512xf32>
    %squeeze3A = vector.shape_cast %broadcast_in_dim3A : vector<2048x1xi32> to vector<2048xi32>
    %mul3A_27 = arith.constant 512 : i32
    %mul3A_28 = arith.muli %arg0, %mul3A_27 : i32
    %add3A_29 = vector.broadcast %mul3A_28 : i32 to vector<2048xi32>
    %add3A_30 = arith.addi %squeeze3A, %add3A_29 : vector<2048xi32>
    %swap3A = arith.constant 0 : index
    %swap3A_31 = arith.constant 0 : index
    %swap3A_32 = arith.constant 0 : index
    %swap3A_33 = vector.load %arg3[%swap3A, %swap3A_31, %swap3A_32] : memref<1x2048x8xi32, #tpu.memory_space<vmem>>, vector<1x2048x1xi32>
    %swap3A_34 = vector.shape_cast %swap3A_33 : vector<1x2048x1xi32> to vector<2048xi32>
    %swap3A_35 = vector.shape_cast %add3A_30 : vector<2048xi32> to vector<1x2048x1xi32>
    tpu.vector_store %arg3[%swap3A, %swap3A_31, %swap3A_32], %swap3A_35 {strides = array<i32>} : memref<1x2048x8xi32, #tpu.memory_space<vmem>>, vector<1x2048x1xi32>,
    %argmin3A_36 = tpu.reduce_index %select_n3A {axis = 1 : i32, kind = #tpu.reduction_kind<arg_min>} : vector<2048x512xf32> -> vector<2048xi32>
    %broadcast_in_dim3A_37 = vector.shape_cast %argmin3A_36 : vector<2048xi32> to vector<2048x1xi32>
    %eq3A_38 = vector.broadcast %broadcast_in_dim3A_37 : vector<2048x1xi32> to vector<2048x512xi32>
    %eq3A_39 = arith.cmpi eq, %iota3A, %eq3A_38 : vector<2048x512xi32>
    %jit3A_40 = arith.constant 3.000000e+38 : f32
    %broadcast_in_dim3A_41 = vector.broadcast %jit3A_40 : f32 to vector<2048x512xf32>
    %select_n3A_42 = arith.select %eq3A_39, %broadcast_in_dim3A_41, %select_n3A : vector<2048x512xi1>, vector<2048x512xf32>
    %squeeze3A_43 = vector.shape_cast %broadcast_in_dim3A_37 : vector<2048x1xi32> to vector<2048xi32>
    %mul3A_44 = arith.constant 512 : i32
    %mul3A_45 = arith.muli %arg0, %mul3A_44 : i32
    %add3A_46 = vector.broadcast %mul3A_45 : i32 to vector<2048xi32>
    %add3A_47 = arith.addi %squeeze3A_43, %add3A_46 : vector<2048xi32>
    %swap3A_48 = arith.constant 0 : index
    %swap3A_49 = arith.constant 0 : index
    %swap3A_50 = arith.constant 1 : index
    %swap3A_51 = vector.load %arg3[%swap3A_48, %swap3A_49, %swap3A_50] : memref<1x2048x8xi32, #tpu.memory_space<vmem>>, vector<1x2048x1xi32>
    %swap3A_52 = vector.shape_cast %swap3A_51 : vector<1x2048x1xi32> to vector<2048xi32>
    %swap3A_53 = vector.shape_cast %add3A_47 : vector<2048xi32> to vector<1x2048x1xi32>
    tpu.vector_store %arg3[%swap3A_48, %swap3A_49, %swap3A_50], %swap3A_53 {strides = array<i32>} : memref<1x2048x8xi32, #tpu.memory_space<vmem>>, vector<1x2048x1xi32>,
    %argmin3A_54 = tpu.reduce_index %select_n3A_42 {axis = 1 : i32, kind = #tpu.reduction_kind<arg_min>} : vector<2048x512xf32> -> vector<2048xi32>
    %broadcast_in_dim3A_55 = vector.shape_cast %argmin3A_54 : vector<2048xi32> to vector<2048x1xi32>
    %eq3A_56 = vector.broadcast %broadcast_in_dim3A_55 : vector<2048x1xi32> to vector<2048x512xi32>
    %eq3A_57 = arith.cmpi eq, %iota3A, %eq3A_56 : vector<2048x512xi32>
    %jit3A_58 = arith.constant 3.000000e+38 : f32
    %broadcast_in_dim3A_59 = vector.broadcast %jit3A_58 : f32 to vector<2048x512xf32>
    %select_n3A_60 = arith.select %eq3A_57, %broadcast_in_dim3A_59, %select_n3A_42 : vector<2048x512xi1>, vector<2048x512xf32>
    %squeeze3A_61 = vector.shape_cast %broadcast_in_dim3A_55 : vector<2048x1xi32> to vector<2048xi32>
    %mul3A_62 = arith.constant 512 : i32
    %mul3A_63 = arith.muli %arg0, %mul3A_62 : i32
    %add3A_64 = vector.broadcast %mul3A_63 : i32 to vector<2048xi32>
    %add3A_65 = arith.addi %squeeze3A_61, %add3A_64 : vector<2048xi32>
    %swap3A_66 = arith.constant 0 : index
    %swap3A_67 = arith.constant 0 : index
    %swap3A_68 = arith.constant 2 : index
    %swap3A_69 = vector.load %arg3[%swap3A_66, %swap3A_67, %swap3A_68] : memref<1x2048x8xi32, #tpu.memory_space<vmem>>, vector<1x2048x1xi32>
    %swap3A_70 = vector.shape_cast %swap3A_69 : vector<1x2048x1xi32> to vector<2048xi32>
    %swap3A_71 = vector.shape_cast %add3A_65 : vector<2048xi32> to vector<1x2048x1xi32>
    tpu.vector_store %arg3[%swap3A_66, %swap3A_67, %swap3A_68], %swap3A_71 {strides = array<i32>} : memref<1x2048x8xi32, #tpu.memory_space<vmem>>, vector<1x2048x1xi32>,
    %argmin3A_72 = tpu.reduce_index %select_n3A_60 {axis = 1 : i32, kind = #tpu.reduction_kind<arg_min>} : vector<2048x512xf32> -> vector<2048xi32>
    %broadcast_in_dim3A_73 = vector.shape_cast %argmin3A_72 : vector<2048xi32> to vector<2048x1xi32>
    %eq3A_74 = vector.broadcast %broadcast_in_dim3A_73 : vector<2048x1xi32> to vector<2048x512xi32>
    %eq3A_75 = arith.cmpi eq, %iota3A, %eq3A_74 : vector<2048x512xi32>
    %jit3A_76 = arith.constant 3.000000e+38 : f32
    %broadcast_in_dim3A_77 = vector.broadcast %jit3A_76 : f32 to vector<2048x512xf32>
    %select_n3A_78 = arith.select %eq3A_75, %broadcast_in_dim3A_77, %select_n3A_60 : vector<2048x512xi1>, vector<2048x512xf32>
    %squeeze3A_79 = vector.shape_cast %broadcast_in_dim3A_73 : vector<2048x1xi32> to vector<2048xi32>
    %mul3A_80 = arith.constant 512 : i32
    %mul3A_81 = arith.muli %arg0, %mul3A_80 : i32
    %add3A_82 = vector.broadcast %mul3A_81 : i32 to vector<2048xi32>
    %add3A_83 = arith.addi %squeeze3A_79, %add3A_82 : vector<2048xi32>
    %swap3A_84 = arith.constant 0 : index
    %swap3A_85 = arith.constant 0 : index
    %swap3A_86 = arith.constant 3 : index
    %swap3A_87 = vector.load %arg3[%swap3A_84, %swap3A_85, %swap3A_86] : memref<1x2048x8xi32, #tpu.memory_space<vmem>>, vector<1x2048x1xi32>
    %swap3A_88 = vector.shape_cast %swap3A_87 : vector<1x2048x1xi32> to vector<2048xi32>
    %swap3A_89 = vector.shape_cast %add3A_83 : vector<2048xi32> to vector<1x2048x1xi32>
    tpu.vector_store %arg3[%swap3A_84, %swap3A_85, %swap3A_86], %swap3A_89 {strides = array<i32>} : memref<1x2048x8xi32, #tpu.memory_space<vmem>>, vector<1x2048x1xi32>,
    %argmin3A_90 = tpu.reduce_index %select_n3A_78 {axis = 1 : i32, kind = #tpu.reduction_kind<arg_min>} : vector<2048x512xf32> -> vector<2048xi32>
    %broadcast_in_dim3A_91 = vector.shape_cast %argmin3A_90 : vector<2048xi32> to vector<2048x1xi32>
    %eq3A_92 = vector.broadcast %broadcast_in_dim3A_91 : vector<2048x1xi32> to vector<2048x512xi32>
    %eq3A_93 = arith.cmpi eq, %iota3A, %eq3A_92 : vector<2048x512xi32>
    %jit3A_94 = arith.constant 3.000000e+38 : f32
    %broadcast_in_dim3A_95 = vector.broadcast %jit3A_94 : f32 to vector<2048x512xf32>
    %select_n3A_96 = arith.select %eq3A_93, %broadcast_in_dim3A_95, %select_n3A_78 : vector<2048x512xi1>, vector<2048x512xf32>
    %squeeze3A_97 = vector.shape_cast %broadcast_in_dim3A_91 : vector<2048x1xi32> to vector<2048xi32>
    %mul3A_98 = arith.constant 512 : i32
    %mul3A_99 = arith.muli %arg0, %mul3A_98 : i32
    %add3A_100 = vector.broadcast %mul3A_99 : i32 to vector<2048xi32>
    %add3A_101 = arith.addi %squeeze3A_97, %add3A_100 : vector<2048xi32>
    %swap3A_102 = arith.constant 0 : index
    %swap3A_103 = arith.constant 0 : index
    %swap3A_104 = arith.constant 4 : index
    %swap3A_105 = vector.load %arg3[%swap3A_102, %swap3A_103, %swap3A_104] : memref<1x2048x8xi32, #tpu.memory_space<vmem>>, vector<1x2048x1xi32>
    %swap3A_106 = vector.shape_cast %swap3A_105 : vector<1x2048x1xi32> to vector<2048xi32>
    %swap3A_107 = vector.shape_cast %add3A_101 : vector<2048xi32> to vector<1x2048x1xi32>
    tpu.vector_store %arg3[%swap3A_102, %swap3A_103, %swap3A_104], %swap3A_107 {strides = array<i32>} : memref<1x2048x8xi32, #tpu.memory_space<vmem>>, vector<1x2048x1xi32>,
    %argmin3A_108 = tpu.reduce_index %select_n3A_96 {axis = 1 : i32, kind = #tpu.reduction_kind<arg_min>} : vector<2048x512xf32> -> vector<2048xi32>
    %broadcast_in_dim3A_109 = vector.shape_cast %argmin3A_108 : vector<2048xi32> to vector<2048x1xi32>
    %eq3A_110 = vector.broadcast %broadcast_in_dim3A_109 : vector<2048x1xi32> to vector<2048x512xi32>
    %eq3A_111 = arith.cmpi eq, %iota3A, %eq3A_110 : vector<2048x512xi32>
    %jit3A_112 = arith.constant 3.000000e+38 : f32
    %broadcast_in_dim3A_113 = vector.broadcast %jit3A_112 : f32 to vector<2048x512xf32>
    %select_n3A_114 = arith.select %eq3A_111, %broadcast_in_dim3A_113, %select_n3A_96 : vector<2048x512xi1>, vector<2048x512xf32>
    %squeeze3A_115 = vector.shape_cast %broadcast_in_dim3A_109 : vector<2048x1xi32> to vector<2048xi32>
    %mul3A_116 = arith.constant 512 : i32
    %mul3A_117 = arith.muli %arg0, %mul3A_116 : i32
    %add3A_118 = vector.broadcast %mul3A_117 : i32 to vector<2048xi32>
    %add3A_119 = arith.addi %squeeze3A_115, %add3A_118 : vector<2048xi32>
    %swap3A_120 = arith.constant 0 : index
    %swap3A_121 = arith.constant 0 : index
    %swap3A_122 = arith.constant 5 : index
    %swap3A_123 = vector.load %arg3[%swap3A_120, %swap3A_121, %swap3A_122] : memref<1x2048x8xi32, #tpu.memory_space<vmem>>, vector<1x2048x1xi32>
    %swap3A_124 = vector.shape_cast %swap3A_123 : vector<1x2048x1xi32> to vector<2048xi32>
    %swap3A_125 = vector.shape_cast %add3A_119 : vector<2048xi32> to vector<1x2048x1xi32>
    tpu.vector_store %arg3[%swap3A_120, %swap3A_121, %swap3A_122], %swap3A_125 {strides = array<i32>} : memref<1x2048x8xi32, #tpu.memory_space<vmem>>, vector<1x2048x1xi32>,
    %argmin3A_126 = tpu.reduce_index %select_n3A_114 {axis = 1 : i32, kind = #tpu.reduction_kind<arg_min>} : vector<2048x512xf32> -> vector<2048xi32>
    %broadcast_in_dim3A_127 = vector.shape_cast %argmin3A_126 : vector<2048xi32> to vector<2048x1xi32>
    %eq3A_128 = vector.broadcast %broadcast_in_dim3A_127 : vector<2048x1xi32> to vector<2048x512xi32>
    %eq3A_129 = arith.cmpi eq, %iota3A, %eq3A_128 : vector<2048x512xi32>
    %jit3A_130 = arith.constant 3.000000e+38 : f32
    %broadcast_in_dim3A_131 = vector.broadcast %jit3A_130 : f32 to vector<2048x512xf32>
    %select_n3A_132 = arith.select %eq3A_129, %broadcast_in_dim3A_131, %select_n3A_114 : vector<2048x512xi1>, vector<2048x512xf32>
    %squeeze3A_133 = vector.shape_cast %broadcast_in_dim3A_127 : vector<2048x1xi32> to vector<2048xi32>
    %mul3A_134 = arith.constant 512 : i32
    %mul3A_135 = arith.muli %arg0, %mul3A_134 : i32
    %add3A_136 = vector.broadcast %mul3A_135 : i32 to vector<2048xi32>
    %add3A_137 = arith.addi %squeeze3A_133, %add3A_136 : vector<2048xi32>
    %swap3A_138 = arith.constant 0 : index
    %swap3A_139 = arith.constant 0 : index
    %swap3A_140 = arith.constant 6 : index
    %swap3A_141 = vector.load %arg3[%swap3A_138, %swap3A_139, %swap3A_140] : memref<1x2048x8xi32, #tpu.memory_space<vmem>>, vector<1x2048x1xi32>
    %swap3A_142 = vector.shape_cast %swap3A_141 : vector<1x2048x1xi32> to vector<2048xi32>
    %swap3A_143 = vector.shape_cast %add3A_137 : vector<2048xi32> to vector<1x2048x1xi32>
    tpu.vector_store %arg3[%swap3A_138, %swap3A_139, %swap3A_140], %swap3A_143 {strides = array<i32>} : memref<1x2048x8xi32, #tpu.memory_space<vmem>>, vector<1x2048x1xi32>,
    %argmin3A_144 = tpu.reduce_index %select_n3A_132 {axis = 1 : i32, kind = #tpu.reduction_kind<arg_min>} : vector<2048x512xf32> -> vector<2048xi32>
    %broadcast_in_dim3A_145 = vector.shape_cast %argmin3A_144 : vector<2048xi32> to vector<2048x1xi32>
    %squeeze3A_146 = vector.shape_cast %broadcast_in_dim3A_145 : vector<2048x1xi32> to vector<2048xi32>
    %mul3A_147 = arith.constant 512 : i32
    %mul3A_148 = arith.muli %arg0, %mul3A_147 : i32
    %add3A_149 = vector.broadcast %mul3A_148 : i32 to vector<2048xi32>
    %add3A_150 = arith.addi %squeeze3A_146, %add3A_149 : vector<2048xi32>
    %swap3A_151 = arith.constant 0 : index
    %swap3A_152 = arith.constant 0 : index
    %swap3A_153 = arith.constant 7 : index
    %swap3A_154 = vector.load %arg3[%swap3A_151, %swap3A_152, %swap3A_153] : memref<1x2048x8xi32, #tpu.memory_space<vmem>>, vector<1x2048x1xi32>
    %swap3A_155 = vector.shape_cast %swap3A_154 : vector<1x2048x1xi32> to vector<2048xi32>
    %swap3A_156 = vector.shape_cast %add3A_150 : vector<2048xi32> to vector<1x2048x1xi32>
    tpu.vector_store %arg3[%swap3A_151, %swap3A_152, %swap3A_153], %swap3A_156 {strides = array<i32>} : memref<1x2048x8xi32, #tpu.memory_space<vmem>>, vector<1x2048x1xi32>,
    return
  }
  func.func @transform_0(%arg0: i32) -> (i32, i32, i32) {
    %c0_i32 = arith.constant 0 : i32
    %c0_i32_0 = arith.constant 0 : i32
    %c0_i32_1 = arith.constant 0 : i32
    return %arg0, %c0_i32, %c0_i32_0 : i32, i32, i32
  }
  func.func @transform_1(%arg0: i32) -> (i32, i32, i32) {
    %c0_i32 = arith.constant 0 : i32
    %c0_i32_0 = arith.constant 0 : i32
    %c0_i32_1 = arith.constant 0 : i32
    return %arg0, %c0_i32, %c0_i32_0 : i32, i32, i32
  }
  func.func @transform_2(%arg0: i32) -> (i32, i32, i32) {
    %c0_i32 = arith.constant 0 : i32
    %c0_i32_0 = arith.constant 0 : i32
    %c0_i32_1 = arith.constant 0 : i32
    return %arg0, %c0_i32, %c0_i32_0 : i32, i32, i32
  }
}

module attributes {stable_mosaic.version = 14 : i64} {
  func.func @_precompute_h_kernel(%arg0: i32, %arg1: memref<1x512x128xf32, #tpu.memory_space<vmem>>, %arg2: memref<1x512x3xf32, #tpu.memory_space<vmem>>, %arg3: memref<128x64xf32, #tpu.memory_space<vmem>>, %arg4: memref<3x64xf32, #tpu.memory_space<vmem>>, %arg5: memref<1x64xf32, #tpu.memory_space<vmem>>, %arg6: memref<1x512x64xf32, #tpu.memory_space<vmem>>) attributes {dimension_semantics = [#tpu.dimension_semantics<parallel>], iteration_bounds = array<i64: 16>, scalar_prefetch = 0 : i64, scratch_operands = 0 : i64, tpu.core_type = #tpu.core_type<tc>, window_params = [{transform_indices = @transform_0, window_bounds = array<i64: 1, 512, 128>}, {transform_indices = @transform_1, window_bounds = array<i64: 1, 512, 3>}, {pipeline_mode = #tpu.pipeline_mode<synchronous>, transform_indices = @transform_2, window_bounds = array<i64: 128, 64>}, {pipeline_mode = #tpu.pipeline_mode<synchronous>, transform_indices = @transform_3, window_bounds = array<i64: 3, 64>}, {pipeline_mode = #tpu.pipeline_mode<synchronous>, transform_indices = @transform_4, window_bounds = array<i64: 1, 64>}, {transform_indices = @transform_5, window_bounds = array<i64: 1, 512, 64>}]} {
    %get3A = arith.constant 0 : index
    %get3A_0 = arith.constant 0 : index
    %get3A_1 = arith.constant 0 : index
    %get3A_2 = vector.load %arg1[%get3A, %get3A_0, %get3A_1] : memref<1x512x128xf32, #tpu.memory_space<vmem>>, vector<1x512x128xf32>
    %get3A_3 = vector.shape_cast %get3A_2 : vector<1x512x128xf32> to vector<512x128xf32>
    %get3A_4 = arith.constant 0 : index
    %get3A_5 = arith.constant 0 : index
    %get3A_6 = arith.constant 0 : index
    %get3A_7 = vector.load %arg2[%get3A_4, %get3A_5, %get3A_6] : memref<1x512x3xf32, #tpu.memory_space<vmem>>, vector<1x512x3xf32>
    %get3A_8 = vector.shape_cast %get3A_7 : vector<1x512x3xf32> to vector<512x3xf32>
    %get3A_9 = arith.constant 0 : index
    %get3A_10 = arith.constant 0 : index
    %get3A_11 = vector.load %arg3[%get3A_9, %get3A_10] : memref<128x64xf32, #tpu.memory_space<vmem>>, vector<128x64xf32>
    %dot_general3A = arith.constant dense<0.000000e+00> : vector<512x64xf32>
    %dot_general3A_12 = tpu.matmul %get3A_3, %get3A_11, %dot_general3A {dimension_numbers = #tpu.dot_dimension_numbers<[1], [0], [0], [1], [0, 0, 1, 1], [], []>, transpose_lhs_hint = false} : vector<512x128xf32>, vector<128x64xf32>, vector<512x64xf32> -> vector<512x64xf32>
    %get3A_13 = arith.constant 0 : index
    %get3A_14 = arith.constant 0 : index
    %get3A_15 = vector.load %arg4[%get3A_13, %get3A_14] : memref<3x64xf32, #tpu.memory_space<vmem>>, vector<3x64xf32>
    %dot_general3A_16 = arith.constant dense<0.000000e+00> : vector<512x64xf32>
    %dot_general3A_17 = tpu.matmul %get3A_8, %get3A_15, %dot_general3A_16 {dimension_numbers = #tpu.dot_dimension_numbers<[1], [0], [0], [1], [0, 0, 1, 1], [], []>, transpose_lhs_hint = false} : vector<512x3xf32>, vector<3x64xf32>, vector<512x64xf32> -> vector<512x64xf32>
    %add3A = arith.addf %dot_general3A_12, %dot_general3A_17 : vector<512x64xf32>
    %get3A_18 = arith.constant 0 : index
    %get3A_19 = arith.constant 0 : index
    %get3A_20 = vector.load %arg5[%get3A_18, %get3A_19] : memref<1x64xf32, #tpu.memory_space<vmem>>, vector<1x64xf32>
    %add3A_21 = vector.broadcast %get3A_20 : vector<1x64xf32> to vector<512x64xf32>
    %add3A_22 = arith.addf %add3A, %add3A_21 : vector<512x64xf32>
    %swap3A = arith.constant 0 : index
    %swap3A_23 = arith.constant 0 : index
    %swap3A_24 = arith.constant 0 : index
    %swap3A_25 = vector.load %arg6[%swap3A, %swap3A_23, %swap3A_24] : memref<1x512x64xf32, #tpu.memory_space<vmem>>, vector<1x512x64xf32>
    %swap3A_26 = vector.shape_cast %swap3A_25 : vector<1x512x64xf32> to vector<512x64xf32>
    %swap3A_27 = vector.shape_cast %add3A_22 : vector<512x64xf32> to vector<1x512x64xf32>
    tpu.vector_store %arg6[%swap3A, %swap3A_23, %swap3A_24], %swap3A_27 {strides = array<i32>} : memref<1x512x64xf32, #tpu.memory_space<vmem>>, vector<1x512x64xf32>,
    return
  }
  func.func @transform_0(%arg0: i32) -> (i32, i32, i32) {
    %c0_i32 = arith.constant 0 : i32
    %c0_i32_0 = arith.constant 0 : i32
    %c0_i32_1 = arith.constant 0 : i32
    return %arg0, %c0_i32, %c0_i32_0 : i32, i32, i32
  }
  func.func @transform_1(%arg0: i32) -> (i32, i32, i32) {
    %c0_i32 = arith.constant 0 : i32
    %c0_i32_0 = arith.constant 0 : i32
    %c0_i32_1 = arith.constant 0 : i32
    return %arg0, %c0_i32, %c0_i32_0 : i32, i32, i32
  }
  func.func @transform_2(%arg0: i32) -> (i32, i32) {
    %c0_i32 = arith.constant 0 : i32
    %c0_i32_0 = arith.constant 0 : i32
    %c0_i32_1 = arith.constant 0 : i32
    return %c0_i32, %c0_i32_0 : i32, i32
  }
  func.func @transform_3(%arg0: i32) -> (i32, i32) {
    %c0_i32 = arith.constant 0 : i32
    %c0_i32_0 = arith.constant 0 : i32
    %c0_i32_1 = arith.constant 0 : i32
    return %c0_i32, %c0_i32_0 : i32, i32
  }
  func.func @transform_4(%arg0: i32) -> (i32, i32) {
    %c0_i32 = arith.constant 0 : i32
    %c0_i32_0 = arith.constant 0 : i32
    %c0_i32_1 = arith.constant 0 : i32
    return %c0_i32, %c0_i32_0 : i32, i32
  }
  func.func @transform_5(%arg0: i32) -> (i32, i32, i32) {
    %c0_i32 = arith.constant 0 : i32
    %c0_i32_0 = arith.constant 0 : i32
    %c0_i32_1 = arith.constant 0 : i32
    return %arg0, %c0_i32, %c0_i32_0 : i32, i32, i32
  }
}

module attributes {stable_mosaic.version = 14 : i64} {
  func.func @_mlp_kernel(%arg0: i32, %arg1: memref<1x2048x8x128xf32, #tpu.memory_space<vmem>>, %arg2: memref<1x2048x3xf32, #tpu.memory_space<vmem>>, %arg3: memref<1x2048x64xf32, #tpu.memory_space<vmem>>, %arg4: memref<3x64xf32, #tpu.memory_space<vmem>>, %arg5: memref<64x64xf32, #tpu.memory_space<vmem>>, %arg6: memref<1x64xf32, #tpu.memory_space<vmem>>, %arg7: memref<64x128xf32, #tpu.memory_space<vmem>>, %arg8: memref<1x128xf32, #tpu.memory_space<vmem>>, %arg9: memref<128x128xf32, #tpu.memory_space<vmem>>, %arg10: memref<64x128xf32, #tpu.memory_space<vmem>>, %arg11: memref<1x128xf32, #tpu.memory_space<vmem>>, %arg12: memref<1x2048x128xf32, #tpu.memory_space<vmem>>) attributes {dimension_semantics = [#tpu.dimension_semantics<arbitrary>], iteration_bounds = array<i64: 16>, scalar_prefetch = 0 : i64, scratch_operands = 0 : i64, tpu.core_type = #tpu.core_type<tc>, window_params = [{transform_indices = @transform_0, window_bounds = array<i64: 1, 2048, 8, 128>}, {transform_indices = @transform_1, window_bounds = array<i64: 1, 2048, 3>}, {transform_indices = @transform_2, window_bounds = array<i64: 1, 2048, 64>}, {pipeline_mode = #tpu.pipeline_mode<synchronous>, transform_indices = @transform_3, window_bounds = array<i64: 3, 64>}, {pipeline_mode = #tpu.pipeline_mode<synchronous>, transform_indices = @transform_4, window_bounds = array<i64: 64, 64>}, {pipeline_mode = #tpu.pipeline_mode<synchronous>, transform_indices = @transform_5, window_bounds = array<i64: 1, 64>}, {pipeline_mode = #tpu.pipeline_mode<synchronous>, transform_indices = @transform_6, window_bounds = array<i64: 64, 128>}, {pipeline_mode = #tpu.pipeline_mode<synchronous>, transform_indices = @transform_7, window_bounds = array<i64: 1, 128>}, {pipeline_mode = #tpu.pipeline_mode<synchronous>, transform_indices = @transform_8, window_bounds = array<i64: 128, 128>}, {pipeline_mode = #tpu.pipeline_mode<synchronous>, transform_indices = @transform_9, window_bounds = array<i64: 64, 128>}, {pipeline_mode = #tpu.pipeline_mode<synchronous>, transform_indices = @transform_10, window_bounds = array<i64: 1, 128>}, {transform_indices = @transform_11, window_bounds = array<i64: 1, 2048, 128>}]} {
    %get3A = arith.constant 0 : index
    %get3A_0 = arith.constant 0 : index
    %get3A_1 = arith.constant 0 : index
    %get3A_2 = vector.load %arg2[%get3A, %get3A_0, %get3A_1] : memref<1x2048x3xf32, #tpu.memory_space<vmem>>, vector<1x2048x3xf32>
    %get3A_3 = vector.shape_cast %get3A_2 : vector<1x2048x3xf32> to vector<2048x3xf32>
    %get3A_4 = arith.constant 0 : index
    %get3A_5 = arith.constant 0 : index
    %get3A_6 = vector.load %arg4[%get3A_4, %get3A_5] : memref<3x64xf32, #tpu.memory_space<vmem>>, vector<3x64xf32>
    %dot_general3A = arith.constant dense<0.000000e+00> : vector<2048x64xf32>
    %dot_general3A_7 = tpu.matmul %get3A_3, %get3A_6, %dot_general3A {dimension_numbers = #tpu.dot_dimension_numbers<[1], [0], [0], [1], [0, 0, 1, 1], [], []>, transpose_lhs_hint = false} : vector<2048x3xf32>, vector<3x64xf32>, vector<2048x64xf32> -> vector<2048x64xf32>
    %get3A_8 = arith.constant 0 : index
    %get3A_9 = arith.constant 0 : index
    %get3A_10 = arith.constant 0 : index
    %get3A_11 = arith.constant 0 : index
    %get3A_12 = vector.load %arg1[%get3A_8, %get3A_9, %get3A_10, %get3A_11] : memref<1x2048x8x128xf32, #tpu.memory_space<vmem>>, vector<1x2048x1x64xf32>
    %get3A_13 = vector.shape_cast %get3A_12 : vector<1x2048x1x64xf32> to vector<2048x64xf32>
    %sub3A = arith.subf %get3A_13, %dot_general3A_7 : vector<2048x64xf32>
    %max3A = arith.constant 0.000000e+00 : f32
    %max3A_14 = vector.broadcast %max3A : f32 to vector<2048x64xf32>
    %max3A_15 = arith.maximumf %sub3A, %max3A_14 : vector<2048x64xf32>
    %get3A_16 = arith.constant 0 : index
    %get3A_17 = arith.constant 0 : index
    %get3A_18 = vector.load %arg5[%get3A_16, %get3A_17] : memref<64x64xf32, #tpu.memory_space<vmem>>, vector<64x64xf32>
    %dot_general3A_19 = arith.constant dense<0.000000e+00> : vector<2048x64xf32>
    %dot_general3A_20 = tpu.matmul %max3A_15, %get3A_18, %dot_general3A_19 {dimension_numbers = #tpu.dot_dimension_numbers<[1], [0], [0], [1], [0, 0, 1, 1], [], []>, transpose_lhs_hint = false} : vector<2048x64xf32>, vector<64x64xf32>, vector<2048x64xf32> -> vector<2048x64xf32>
    %get3A_21 = arith.constant 0 : index
    %get3A_22 = arith.constant 0 : index
    %get3A_23 = vector.load %arg6[%get3A_21, %get3A_22] : memref<1x64xf32, #tpu.memory_space<vmem>>, vector<1x64xf32>
    %add3A = vector.broadcast %get3A_23 : vector<1x64xf32> to vector<2048x64xf32>
    %add3A_24 = arith.addf %dot_general3A_20, %add3A : vector<2048x64xf32>
    %max3A_25 = arith.constant 0.000000e+00 : f32
    %max3A_26 = vector.broadcast %max3A_25 : f32 to vector<2048x64xf32>
    %max3A_27 = arith.maximumf %add3A_24, %max3A_26 : vector<2048x64xf32>
    %get3A_28 = arith.constant 0 : index
    %get3A_29 = arith.constant 0 : index
    %get3A_30 = vector.load %arg7[%get3A_28, %get3A_29] : memref<64x128xf32, #tpu.memory_space<vmem>>, vector<64x128xf32>
    %dot_general3A_31 = arith.constant dense<0.000000e+00> : vector<2048x128xf32>
    %dot_general3A_32 = tpu.matmul %max3A_27, %get3A_30, %dot_general3A_31 {dimension_numbers = #tpu.dot_dimension_numbers<[1], [0], [0], [1], [0, 0, 1, 1], [], []>, transpose_lhs_hint = false} : vector<2048x64xf32>, vector<64x128xf32>, vector<2048x128xf32> -> vector<2048x128xf32>
    %get3A_33 = arith.constant 0 : index
    %get3A_34 = arith.constant 0 : index
    %get3A_35 = vector.load %arg8[%get3A_33, %get3A_34] : memref<1x128xf32, #tpu.memory_space<vmem>>, vector<1x128xf32>
    %add3A_36 = vector.broadcast %get3A_35 : vector<1x128xf32> to vector<2048x128xf32>
    %add3A_37 = arith.addf %dot_general3A_32, %add3A_36 : vector<2048x128xf32>
    %max3A_38 = arith.constant 0.000000e+00 : f32
    %max3A_39 = vector.broadcast %max3A_38 : f32 to vector<2048x128xf32>
    %max3A_40 = arith.maximumf %add3A_37, %max3A_39 : vector<2048x128xf32>
    %get3A_41 = arith.constant 0 : index
    %get3A_42 = arith.constant 0 : index
    %get3A_43 = arith.constant 1 : index
    %get3A_44 = arith.constant 0 : index
    %get3A_45 = vector.load %arg1[%get3A_41, %get3A_42, %get3A_43, %get3A_44] : memref<1x2048x8x128xf32, #tpu.memory_space<vmem>>, vector<1x2048x1x64xf32>
    %get3A_46 = vector.shape_cast %get3A_45 : vector<1x2048x1x64xf32> to vector<2048x64xf32>
    %sub3A_47 = arith.subf %get3A_46, %dot_general3A_7 : vector<2048x64xf32>
    %max3A_48 = arith.constant 0.000000e+00 : f32
    %max3A_49 = vector.broadcast %max3A_48 : f32 to vector<2048x64xf32>
    %max3A_50 = arith.maximumf %sub3A_47, %max3A_49 : vector<2048x64xf32>
    %get3A_51 = arith.constant 0 : index
    %get3A_52 = arith.constant 0 : index
    %get3A_53 = vector.load %arg5[%get3A_51, %get3A_52] : memref<64x64xf32, #tpu.memory_space<vmem>>, vector<64x64xf32>
    %dot_general3A_54 = arith.constant dense<0.000000e+00> : vector<2048x64xf32>
    %dot_general3A_55 = tpu.matmul %max3A_50, %get3A_53, %dot_general3A_54 {dimension_numbers = #tpu.dot_dimension_numbers<[1], [0], [0], [1], [0, 0, 1, 1], [], []>, transpose_lhs_hint = false} : vector<2048x64xf32>, vector<64x64xf32>, vector<2048x64xf32> -> vector<2048x64xf32>
    %get3A_56 = arith.constant 0 : index
    %get3A_57 = arith.constant 0 : index
    %get3A_58 = vector.load %arg6[%get3A_56, %get3A_57] : memref<1x64xf32, #tpu.memory_space<vmem>>, vector<1x64xf32>
    %add3A_59 = vector.broadcast %get3A_58 : vector<1x64xf32> to vector<2048x64xf32>
    %add3A_60 = arith.addf %dot_general3A_55, %add3A_59 : vector<2048x64xf32>
    %max3A_61 = arith.constant 0.000000e+00 : f32
    %max3A_62 = vector.broadcast %max3A_61 : f32 to vector<2048x64xf32>
    %max3A_63 = arith.maximumf %add3A_60, %max3A_62 : vector<2048x64xf32>
    %get3A_64 = arith.constant 0 : index
    %get3A_65 = arith.constant 0 : index
    %get3A_66 = vector.load %arg7[%get3A_64, %get3A_65] : memref<64x128xf32, #tpu.memory_space<vmem>>, vector<64x128xf32>
    %dot_general3A_67 = arith.constant dense<0.000000e+00> : vector<2048x128xf32>
    %dot_general3A_68 = tpu.matmul %max3A_63, %get3A_66, %dot_general3A_67 {dimension_numbers = #tpu.dot_dimension_numbers<[1], [0], [0], [1], [0, 0, 1, 1], [], []>, transpose_lhs_hint = false} : vector<2048x64xf32>, vector<64x128xf32>, vector<2048x128xf32> -> vector<2048x128xf32>
    %get3A_69 = arith.constant 0 : index
    %get3A_70 = arith.constant 0 : index
    %get3A_71 = vector.load %arg8[%get3A_69, %get3A_70] : memref<1x128xf32, #tpu.memory_space<vmem>>, vector<1x128xf32>
    %add3A_72 = vector.broadcast %get3A_71 : vector<1x128xf32> to vector<2048x128xf32>
    %add3A_73 = arith.addf %dot_general3A_68, %add3A_72 : vector<2048x128xf32>
    %max3A_74 = arith.constant 0.000000e+00 : f32
    %max3A_75 = vector.broadcast %max3A_74 : f32 to vector<2048x128xf32>
    %max3A_76 = arith.maximumf %add3A_73, %max3A_75 : vector<2048x128xf32>
    %max3A_77 = arith.maximumf %max3A_40, %max3A_76 : vector<2048x128xf32>
    %get3A_78 = arith.constant 0 : index
    %get3A_79 = arith.constant 0 : index
    %get3A_80 = arith.constant 2 : index
    %get3A_81 = arith.constant 0 : index
    %get3A_82 = vector.load %arg1[%get3A_78, %get3A_79, %get3A_80, %get3A_81] : memref<1x2048x8x128xf32, #tpu.memory_space<vmem>>, vector<1x2048x1x64xf32>
    %get3A_83 = vector.shape_cast %get3A_82 : vector<1x2048x1x64xf32> to vector<2048x64xf32>
    %sub3A_84 = arith.subf %get3A_83, %dot_general3A_7 : vector<2048x64xf32>
    %max3A_85 = arith.constant 0.000000e+00 : f32
    %max3A_86 = vector.broadcast %max3A_85 : f32 to vector<2048x64xf32>
    %max3A_87 = arith.maximumf %sub3A_84, %max3A_86 : vector<2048x64xf32>
    %get3A_88 = arith.constant 0 : index
    %get3A_89 = arith.constant 0 : index
    %get3A_90 = vector.load %arg5[%get3A_88, %get3A_89] : memref<64x64xf32, #tpu.memory_space<vmem>>, vector<64x64xf32>
    %dot_general3A_91 = arith.constant dense<0.000000e+00> : vector<2048x64xf32>
    %dot_general3A_92 = tpu.matmul %max3A_87, %get3A_90, %dot_general3A_91 {dimension_numbers = #tpu.dot_dimension_numbers<[1], [0], [0], [1], [0, 0, 1, 1], [], []>, transpose_lhs_hint = false} : vector<2048x64xf32>, vector<64x64xf32>, vector<2048x64xf32> -> vector<2048x64xf32>
    %get3A_93 = arith.constant 0 : index
    %get3A_94 = arith.constant 0 : index
    %get3A_95 = vector.load %arg6[%get3A_93, %get3A_94] : memref<1x64xf32, #tpu.memory_space<vmem>>, vector<1x64xf32>
    %add3A_96 = vector.broadcast %get3A_95 : vector<1x64xf32> to vector<2048x64xf32>
    %add3A_97 = arith.addf %dot_general3A_92, %add3A_96 : vector<2048x64xf32>
    %max3A_98 = arith.constant 0.000000e+00 : f32
    %max3A_99 = vector.broadcast %max3A_98 : f32 to vector<2048x64xf32>
    %max3A_100 = arith.maximumf %add3A_97, %max3A_99 : vector<2048x64xf32>
    %get3A_101 = arith.constant 0 : index
    %get3A_102 = arith.constant 0 : index
    %get3A_103 = vector.load %arg7[%get3A_101, %get3A_102] : memref<64x128xf32, #tpu.memory_space<vmem>>, vector<64x128xf32>
    %dot_general3A_104 = arith.constant dense<0.000000e+00> : vector<2048x128xf32>
    %dot_general3A_105 = tpu.matmul %max3A_100, %get3A_103, %dot_general3A_104 {dimension_numbers = #tpu.dot_dimension_numbers<[1], [0], [0], [1], [0, 0, 1, 1], [], []>, transpose_lhs_hint = false} : vector<2048x64xf32>, vector<64x128xf32>, vector<2048x128xf32> -> vector<2048x128xf32>
    %get3A_106 = arith.constant 0 : index
    %get3A_107 = arith.constant 0 : index
    %get3A_108 = vector.load %arg8[%get3A_106, %get3A_107] : memref<1x128xf32, #tpu.memory_space<vmem>>, vector<1x128xf32>
    %add3A_109 = vector.broadcast %get3A_108 : vector<1x128xf32> to vector<2048x128xf32>
    %add3A_110 = arith.addf %dot_general3A_105, %add3A_109 : vector<2048x128xf32>
    %max3A_111 = arith.constant 0.000000e+00 : f32
    %max3A_112 = vector.broadcast %max3A_111 : f32 to vector<2048x128xf32>
    %max3A_113 = arith.maximumf %add3A_110, %max3A_112 : vector<2048x128xf32>
    %max3A_114 = arith.maximumf %max3A_77, %max3A_113 : vector<2048x128xf32>
    %get3A_115 = arith.constant 0 : index
    %get3A_116 = arith.constant 0 : index
    %get3A_117 = arith.constant 3 : index
    %get3A_118 = arith.constant 0 : index
    %get3A_119 = vector.load %arg1[%get3A_115, %get3A_116, %get3A_117, %get3A_118] : memref<1x2048x8x128xf32, #tpu.memory_space<vmem>>, vector<1x2048x1x64xf32>
    %get3A_120 = vector.shape_cast %get3A_119 : vector<1x2048x1x64xf32> to vector<2048x64xf32>
    %sub3A_121 = arith.subf %get3A_120, %dot_general3A_7 : vector<2048x64xf32>
    %max3A_122 = arith.constant 0.000000e+00 : f32
    %max3A_123 = vector.broadcast %max3A_122 : f32 to vector<2048x64xf32>
    %max3A_124 = arith.maximumf %sub3A_121, %max3A_123 : vector<2048x64xf32>
    %get3A_125 = arith.constant 0 : index
    %get3A_126 = arith.constant 0 : index
    %get3A_127 = vector.load %arg5[%get3A_125, %get3A_126] : memref<64x64xf32, #tpu.memory_space<vmem>>, vector<64x64xf32>
    %dot_general3A_128 = arith.constant dense<0.000000e+00> : vector<2048x64xf32>
    %dot_general3A_129 = tpu.matmul %max3A_124, %get3A_127, %dot_general3A_128 {dimension_numbers = #tpu.dot_dimension_numbers<[1], [0], [0], [1], [0, 0, 1, 1], [], []>, transpose_lhs_hint = false} : vector<2048x64xf32>, vector<64x64xf32>, vector<2048x64xf32> -> vector<2048x64xf32>
    %get3A_130 = arith.constant 0 : index
    %get3A_131 = arith.constant 0 : index
    %get3A_132 = vector.load %arg6[%get3A_130, %get3A_131] : memref<1x64xf32, #tpu.memory_space<vmem>>, vector<1x64xf32>
    %add3A_133 = vector.broadcast %get3A_132 : vector<1x64xf32> to vector<2048x64xf32>
    %add3A_134 = arith.addf %dot_general3A_129, %add3A_133 : vector<2048x64xf32>
    %max3A_135 = arith.constant 0.000000e+00 : f32
    %max3A_136 = vector.broadcast %max3A_135 : f32 to vector<2048x64xf32>
    %max3A_137 = arith.maximumf %add3A_134, %max3A_136 : vector<2048x64xf32>
    %get3A_138 = arith.constant 0 : index
    %get3A_139 = arith.constant 0 : index
    %get3A_140 = vector.load %arg7[%get3A_138, %get3A_139] : memref<64x128xf32, #tpu.memory_space<vmem>>, vector<64x128xf32>
    %dot_general3A_141 = arith.constant dense<0.000000e+00> : vector<2048x128xf32>
    %dot_general3A_142 = tpu.matmul %max3A_137, %get3A_140, %dot_general3A_141 {dimension_numbers = #tpu.dot_dimension_numbers<[1], [0], [0], [1], [0, 0, 1, 1], [], []>, transpose_lhs_hint = false} : vector<2048x64xf32>, vector<64x128xf32>, vector<2048x128xf32> -> vector<2048x128xf32>
    %get3A_143 = arith.constant 0 : index
    %get3A_144 = arith.constant 0 : index
    %get3A_145 = vector.load %arg8[%get3A_143, %get3A_144] : memref<1x128xf32, #tpu.memory_space<vmem>>, vector<1x128xf32>
    %add3A_146 = vector.broadcast %get3A_145 : vector<1x128xf32> to vector<2048x128xf32>
    %add3A_147 = arith.addf %dot_general3A_142, %add3A_146 : vector<2048x128xf32>
    %max3A_148 = arith.constant 0.000000e+00 : f32
    %max3A_149 = vector.broadcast %max3A_148 : f32 to vector<2048x128xf32>
    %max3A_150 = arith.maximumf %add3A_147, %max3A_149 : vector<2048x128xf32>
    %max3A_151 = arith.maximumf %max3A_114, %max3A_150 : vector<2048x128xf32>
    %get3A_152 = arith.constant 0 : index
    %get3A_153 = arith.constant 0 : index
    %get3A_154 = arith.constant 4 : index
    %get3A_155 = arith.constant 0 : index
    %get3A_156 = vector.load %arg1[%get3A_152, %get3A_153, %get3A_154, %get3A_155] : memref<1x2048x8x128xf32, #tpu.memory_space<vmem>>, vector<1x2048x1x64xf32>
    %get3A_157 = vector.shape_cast %get3A_156 : vector<1x2048x1x64xf32> to vector<2048x64xf32>
    %sub3A_158 = arith.subf %get3A_157, %dot_general3A_7 : vector<2048x64xf32>
    %max3A_159 = arith.constant 0.000000e+00 : f32
    %max3A_160 = vector.broadcast %max3A_159 : f32 to vector<2048x64xf32>
    %max3A_161 = arith.maximumf %sub3A_158, %max3A_160 : vector<2048x64xf32>
    %get3A_162 = arith.constant 0 : index
    %get3A_163 = arith.constant 0 : index
    %get3A_164 = vector.load %arg5[%get3A_162, %get3A_163] : memref<64x64xf32, #tpu.memory_space<vmem>>, vector<64x64xf32>
    %dot_general3A_165 = arith.constant dense<0.000000e+00> : vector<2048x64xf32>
    %dot_general3A_166 = tpu.matmul %max3A_161, %get3A_164, %dot_general3A_165 {dimension_numbers = #tpu.dot_dimension_numbers<[1], [0], [0], [1], [0, 0, 1, 1], [], []>, transpose_lhs_hint = false} : vector<2048x64xf32>, vector<64x64xf32>, vector<2048x64xf32> -> vector<2048x64xf32>
    %get3A_167 = arith.constant 0 : index
    %get3A_168 = arith.constant 0 : index
    %get3A_169 = vector.load %arg6[%get3A_167, %get3A_168] : memref<1x64xf32, #tpu.memory_space<vmem>>, vector<1x64xf32>
    %add3A_170 = vector.broadcast %get3A_169 : vector<1x64xf32> to vector<2048x64xf32>
    %add3A_171 = arith.addf %dot_general3A_166, %add3A_170 : vector<2048x64xf32>
    %max3A_172 = arith.constant 0.000000e+00 : f32
    %max3A_173 = vector.broadcast %max3A_172 : f32 to vector<2048x64xf32>
    %max3A_174 = arith.maximumf %add3A_171, %max3A_173 : vector<2048x64xf32>
    %get3A_175 = arith.constant 0 : index
    %get3A_176 = arith.constant 0 : index
    %get3A_177 = vector.load %arg7[%get3A_175, %get3A_176] : memref<64x128xf32, #tpu.memory_space<vmem>>, vector<64x128xf32>
    %dot_general3A_178 = arith.constant dense<0.000000e+00> : vector<2048x128xf32>
    %dot_general3A_179 = tpu.matmul %max3A_174, %get3A_177, %dot_general3A_178 {dimension_numbers = #tpu.dot_dimension_numbers<[1], [0], [0], [1], [0, 0, 1, 1], [], []>, transpose_lhs_hint = false} : vector<2048x64xf32>, vector<64x128xf32>, vector<2048x128xf32> -> vector<2048x128xf32>
    %get3A_180 = arith.constant 0 : index
    %get3A_181 = arith.constant 0 : index
    %get3A_182 = vector.load %arg8[%get3A_180, %get3A_181] : memref<1x128xf32, #tpu.memory_space<vmem>>, vector<1x128xf32>
    %add3A_183 = vector.broadcast %get3A_182 : vector<1x128xf32> to vector<2048x128xf32>
    %add3A_184 = arith.addf %dot_general3A_179, %add3A_183 : vector<2048x128xf32>
    %max3A_185 = arith.constant 0.000000e+00 : f32
    %max3A_186 = vector.broadcast %max3A_185 : f32 to vector<2048x128xf32>
    %max3A_187 = arith.maximumf %add3A_184, %max3A_186 : vector<2048x128xf32>
    %max3A_188 = arith.maximumf %max3A_151, %max3A_187 : vector<2048x128xf32>
    %get3A_189 = arith.constant 0 : index
    %get3A_190 = arith.constant 0 : index
    %get3A_191 = arith.constant 5 : index
    %get3A_192 = arith.constant 0 : index
    %get3A_193 = vector.load %arg1[%get3A_189, %get3A_190, %get3A_191, %get3A_192] : memref<1x2048x8x128xf32, #tpu.memory_space<vmem>>, vector<1x2048x1x64xf32>
    %get3A_194 = vector.shape_cast %get3A_193 : vector<1x2048x1x64xf32> to vector<2048x64xf32>
    %sub3A_195 = arith.subf %get3A_194, %dot_general3A_7 : vector<2048x64xf32>
    %max3A_196 = arith.constant 0.000000e+00 : f32
    %max3A_197 = vector.broadcast %max3A_196 : f32 to vector<2048x64xf32>
    %max3A_198 = arith.maximumf %sub3A_195, %max3A_197 : vector<2048x64xf32>
    %get3A_199 = arith.constant 0 : index
    %get3A_200 = arith.constant 0 : index
    %get3A_201 = vector.load %arg5[%get3A_199, %get3A_200] : memref<64x64xf32, #tpu.memory_space<vmem>>, vector<64x64xf32>
    %dot_general3A_202 = arith.constant dense<0.000000e+00> : vector<2048x64xf32>
    %dot_general3A_203 = tpu.matmul %max3A_198, %get3A_201, %dot_general3A_202 {dimension_numbers = #tpu.dot_dimension_numbers<[1], [0], [0], [1], [0, 0, 1, 1], [], []>, transpose_lhs_hint = false} : vector<2048x64xf32>, vector<64x64xf32>, vector<2048x64xf32> -> vector<2048x64xf32>
    %get3A_204 = arith.constant 0 : index
    %get3A_205 = arith.constant 0 : index
    %get3A_206 = vector.load %arg6[%get3A_204, %get3A_205] : memref<1x64xf32, #tpu.memory_space<vmem>>, vector<1x64xf32>
    %add3A_207 = vector.broadcast %get3A_206 : vector<1x64xf32> to vector<2048x64xf32>
    %add3A_208 = arith.addf %dot_general3A_203, %add3A_207 : vector<2048x64xf32>
    %max3A_209 = arith.constant 0.000000e+00 : f32
    %max3A_210 = vector.broadcast %max3A_209 : f32 to vector<2048x64xf32>
    %max3A_211 = arith.maximumf %add3A_208, %max3A_210 : vector<2048x64xf32>
    %get3A_212 = arith.constant 0 : index
    %get3A_213 = arith.constant 0 : index
    %get3A_214 = vector.load %arg7[%get3A_212, %get3A_213] : memref<64x128xf32, #tpu.memory_space<vmem>>, vector<64x128xf32>
    %dot_general3A_215 = arith.constant dense<0.000000e+00> : vector<2048x128xf32>
    %dot_general3A_216 = tpu.matmul %max3A_211, %get3A_214, %dot_general3A_215 {dimension_numbers = #tpu.dot_dimension_numbers<[1], [0], [0], [1], [0, 0, 1, 1], [], []>, transpose_lhs_hint = false} : vector<2048x64xf32>, vector<64x128xf32>, vector<2048x128xf32> -> vector<2048x128xf32>
    %get3A_217 = arith.constant 0 : index
    %get3A_218 = arith.constant 0 : index
    %get3A_219 = vector.load %arg8[%get3A_217, %get3A_218] : memref<1x128xf32, #tpu.memory_space<vmem>>, vector<1x128xf32>
    %add3A_220 = vector.broadcast %get3A_219 : vector<1x128xf32> to vector<2048x128xf32>
    %add3A_221 = arith.addf %dot_general3A_216, %add3A_220 : vector<2048x128xf32>
    %max3A_222 = arith.constant 0.000000e+00 : f32
    %max3A_223 = vector.broadcast %max3A_222 : f32 to vector<2048x128xf32>
    %max3A_224 = arith.maximumf %add3A_221, %max3A_223 : vector<2048x128xf32>
    %max3A_225 = arith.maximumf %max3A_188, %max3A_224 : vector<2048x128xf32>
    %get3A_226 = arith.constant 0 : index
    %get3A_227 = arith.constant 0 : index
    %get3A_228 = arith.constant 6 : index
    %get3A_229 = arith.constant 0 : index
    %get3A_230 = vector.load %arg1[%get3A_226, %get3A_227, %get3A_228, %get3A_229] : memref<1x2048x8x128xf32, #tpu.memory_space<vmem>>, vector<1x2048x1x64xf32>
    %get3A_231 = vector.shape_cast %get3A_230 : vector<1x2048x1x64xf32> to vector<2048x64xf32>
    %sub3A_232 = arith.subf %get3A_231, %dot_general3A_7 : vector<2048x64xf32>
    %max3A_233 = arith.constant 0.000000e+00 : f32
    %max3A_234 = vector.broadcast %max3A_233 : f32 to vector<2048x64xf32>
    %max3A_235 = arith.maximumf %sub3A_232, %max3A_234 : vector<2048x64xf32>
    %get3A_236 = arith.constant 0 : index
    %get3A_237 = arith.constant 0 : index
    %get3A_238 = vector.load %arg5[%get3A_236, %get3A_237] : memref<64x64xf32, #tpu.memory_space<vmem>>, vector<64x64xf32>
    %dot_general3A_239 = arith.constant dense<0.000000e+00> : vector<2048x64xf32>
    %dot_general3A_240 = tpu.matmul %max3A_235, %get3A_238, %dot_general3A_239 {dimension_numbers = #tpu.dot_dimension_numbers<[1], [0], [0], [1], [0, 0, 1, 1], [], []>, transpose_lhs_hint = false} : vector<2048x64xf32>, vector<64x64xf32>, vector<2048x64xf32> -> vector<2048x64xf32>
    %get3A_241 = arith.constant 0 : index
    %get3A_242 = arith.constant 0 : index
    %get3A_243 = vector.load %arg6[%get3A_241, %get3A_242] : memref<1x64xf32, #tpu.memory_space<vmem>>, vector<1x64xf32>
    %add3A_244 = vector.broadcast %get3A_243 : vector<1x64xf32> to vector<2048x64xf32>
    %add3A_245 = arith.addf %dot_general3A_240, %add3A_244 : vector<2048x64xf32>
    %max3A_246 = arith.constant 0.000000e+00 : f32
    %max3A_247 = vector.broadcast %max3A_246 : f32 to vector<2048x64xf32>
    %max3A_248 = arith.maximumf %add3A_245, %max3A_247 : vector<2048x64xf32>
    %get3A_249 = arith.constant 0 : index
    %get3A_250 = arith.constant 0 : index
    %get3A_251 = vector.load %arg7[%get3A_249, %get3A_250] : memref<64x128xf32, #tpu.memory_space<vmem>>, vector<64x128xf32>
    %dot_general3A_252 = arith.constant dense<0.000000e+00> : vector<2048x128xf32>
    %dot_general3A_253 = tpu.matmul %max3A_248, %get3A_251, %dot_general3A_252 {dimension_numbers = #tpu.dot_dimension_numbers<[1], [0], [0], [1], [0, 0, 1, 1], [], []>, transpose_lhs_hint = false} : vector<2048x64xf32>, vector<64x128xf32>, vector<2048x128xf32> -> vector<2048x128xf32>
    %get3A_254 = arith.constant 0 : index
    %get3A_255 = arith.constant 0 : index
    %get3A_256 = vector.load %arg8[%get3A_254, %get3A_255] : memref<1x128xf32, #tpu.memory_space<vmem>>, vector<1x128xf32>
    %add3A_257 = vector.broadcast %get3A_256 : vector<1x128xf32> to vector<2048x128xf32>
    %add3A_258 = arith.addf %dot_general3A_253, %add3A_257 : vector<2048x128xf32>
    %max3A_259 = arith.constant 0.000000e+00 : f32
    %max3A_260 = vector.broadcast %max3A_259 : f32 to vector<2048x128xf32>
    %max3A_261 = arith.maximumf %add3A_258, %max3A_260 : vector<2048x128xf32>
    %max3A_262 = arith.maximumf %max3A_225, %max3A_261 : vector<2048x128xf32>
    %get3A_263 = arith.constant 0 : index
    %get3A_264 = arith.constant 0 : index
    %get3A_265 = arith.constant 7 : index
    %get3A_266 = arith.constant 0 : index
    %get3A_267 = vector.load %arg1[%get3A_263, %get3A_264, %get3A_265, %get3A_266] : memref<1x2048x8x128xf32, #tpu.memory_space<vmem>>, vector<1x2048x1x64xf32>
    %get3A_268 = vector.shape_cast %get3A_267 : vector<1x2048x1x64xf32> to vector<2048x64xf32>
    %sub3A_269 = arith.subf %get3A_268, %dot_general3A_7 : vector<2048x64xf32>
    %max3A_270 = arith.constant 0.000000e+00 : f32
    %max3A_271 = vector.broadcast %max3A_270 : f32 to vector<2048x64xf32>
    %max3A_272 = arith.maximumf %sub3A_269, %max3A_271 : vector<2048x64xf32>
    %get3A_273 = arith.constant 0 : index
    %get3A_274 = arith.constant 0 : index
    %get3A_275 = vector.load %arg5[%get3A_273, %get3A_274] : memref<64x64xf32, #tpu.memory_space<vmem>>, vector<64x64xf32>
    %dot_general3A_276 = arith.constant dense<0.000000e+00> : vector<2048x64xf32>
    %dot_general3A_277 = tpu.matmul %max3A_272, %get3A_275, %dot_general3A_276 {dimension_numbers = #tpu.dot_dimension_numbers<[1], [0], [0], [1], [0, 0, 1, 1], [], []>, transpose_lhs_hint = false} : vector<2048x64xf32>, vector<64x64xf32>, vector<2048x64xf32> -> vector<2048x64xf32>
    %get3A_278 = arith.constant 0 : index
    %get3A_279 = arith.constant 0 : index
    %get3A_280 = vector.load %arg6[%get3A_278, %get3A_279] : memref<1x64xf32, #tpu.memory_space<vmem>>, vector<1x64xf32>
    %add3A_281 = vector.broadcast %get3A_280 : vector<1x64xf32> to vector<2048x64xf32>
    %add3A_282 = arith.addf %dot_general3A_277, %add3A_281 : vector<2048x64xf32>
    %max3A_283 = arith.constant 0.000000e+00 : f32
    %max3A_284 = vector.broadcast %max3A_283 : f32 to vector<2048x64xf32>
    %max3A_285 = arith.maximumf %add3A_282, %max3A_284 : vector<2048x64xf32>
    %get3A_286 = arith.constant 0 : index
    %get3A_287 = arith.constant 0 : index
    %get3A_288 = vector.load %arg7[%get3A_286, %get3A_287] : memref<64x128xf32, #tpu.memory_space<vmem>>, vector<64x128xf32>
    %dot_general3A_289 = arith.constant dense<0.000000e+00> : vector<2048x128xf32>
    %dot_general3A_290 = tpu.matmul %max3A_285, %get3A_288, %dot_general3A_289 {dimension_numbers = #tpu.dot_dimension_numbers<[1], [0], [0], [1], [0, 0, 1, 1], [], []>, transpose_lhs_hint = false} : vector<2048x64xf32>, vector<64x128xf32>, vector<2048x128xf32> -> vector<2048x128xf32>
    %get3A_291 = arith.constant 0 : index
    %get3A_292 = arith.constant 0 : index
    %get3A_293 = vector.load %arg8[%get3A_291, %get3A_292] : memref<1x128xf32, #tpu.memory_space<vmem>>, vector<1x128xf32>
    %add3A_294 = vector.broadcast %get3A_293 : vector<1x128xf32> to vector<2048x128xf32>
    %add3A_295 = arith.addf %dot_general3A_290, %add3A_294 : vector<2048x128xf32>
    %max3A_296 = arith.constant 0.000000e+00 : f32
    %max3A_297 = vector.broadcast %max3A_296 : f32 to vector<2048x128xf32>
    %max3A_298 = arith.maximumf %add3A_295, %max3A_297 : vector<2048x128xf32>
    %max3A_299 = arith.maximumf %max3A_262, %max3A_298 : vector<2048x128xf32>
    %get3A_300 = arith.constant 0 : index
    %get3A_301 = arith.constant 0 : index
    %get3A_302 = vector.load %arg9[%get3A_300, %get3A_301] : memref<128x128xf32, #tpu.memory_space<vmem>>, vector<128x128xf32>
    %dot_general3A_303 = arith.constant dense<0.000000e+00> : vector<2048x128xf32>
    %dot_general3A_304 = tpu.matmul %max3A_299, %get3A_302, %dot_general3A_303 {dimension_numbers = #tpu.dot_dimension_numbers<[1], [0], [0], [1], [0, 0, 1, 1], [], []>, transpose_lhs_hint = false} : vector<2048x128xf32>, vector<128x128xf32>, vector<2048x128xf32> -> vector<2048x128xf32>
    %get3A_305 = arith.constant 0 : index
    %get3A_306 = arith.constant 0 : index
    %get3A_307 = arith.constant 0 : index
    %get3A_308 = vector.load %arg3[%get3A_305, %get3A_306, %get3A_307] : memref<1x2048x64xf32, #tpu.memory_space<vmem>>, vector<1x2048x64xf32>
    %get3A_309 = vector.shape_cast %get3A_308 : vector<1x2048x64xf32> to vector<2048x64xf32>
    %get3A_310 = arith.constant 0 : index
    %get3A_311 = arith.constant 0 : index
    %get3A_312 = vector.load %arg10[%get3A_310, %get3A_311] : memref<64x128xf32, #tpu.memory_space<vmem>>, vector<64x128xf32>
    %dot_general3A_313 = arith.constant dense<0.000000e+00> : vector<2048x128xf32>
    %dot_general3A_314 = tpu.matmul %get3A_309, %get3A_312, %dot_general3A_313 {dimension_numbers = #tpu.dot_dimension_numbers<[1], [0], [0], [1], [0, 0, 1, 1], [], []>, transpose_lhs_hint = false} : vector<2048x64xf32>, vector<64x128xf32>, vector<2048x128xf32> -> vector<2048x128xf32>
    %add3A_315 = arith.addf %dot_general3A_304, %dot_general3A_314 : vector<2048x128xf32>
    %get3A_316 = arith.constant 0 : index
    %get3A_317 = arith.constant 0 : index
    %get3A_318 = vector.load %arg11[%get3A_316, %get3A_317] : memref<1x128xf32, #tpu.memory_space<vmem>>, vector<1x128xf32>
    %add3A_319 = vector.broadcast %get3A_318 : vector<1x128xf32> to vector<2048x128xf32>
    %add3A_320 = arith.addf %add3A_315, %add3A_319 : vector<2048x128xf32>
    %max3A_321 = arith.constant 0.000000e+00 : f32
    %max3A_322 = vector.broadcast %max3A_321 : f32 to vector<2048x128xf32>
    %max3A_323 = arith.maximumf %add3A_320, %max3A_322 : vector<2048x128xf32>
    %swap3A = arith.constant 0 : index
    %swap3A_324 = arith.constant 0 : index
    %swap3A_325 = arith.constant 0 : index
    %swap3A_326 = vector.load %arg12[%swap3A, %swap3A_324, %swap3A_325] : memref<1x2048x128xf32, #tpu.memory_space<vmem>>, vector<1x2048x128xf32>
    %swap3A_327 = vector.shape_cast %swap3A_326 : vector<1x2048x128xf32> to vector<2048x128xf32>
    %swap3A_328 = vector.shape_cast %max3A_323 : vector<2048x128xf32> to vector<1x2048x128xf32>
    tpu.vector_store %arg12[%swap3A, %swap3A_324, %swap3A_325], %swap3A_328 {strides = array<i32>} : memref<1x2048x128xf32, #tpu.memory_space<vmem>>, vector<1x2048x128xf32>,
    return
  }
  func.func @transform_0(%arg0: i32) -> (i32, i32, i32, i32) {
    %c0_i32 = arith.constant 0 : i32
    %c0_i32_0 = arith.constant 0 : i32
    %c0_i32_1 = arith.constant 0 : i32
    %c0_i32_2 = arith.constant 0 : i32
    return %arg0, %c0_i32, %c0_i32_0, %c0_i32_1 : i32, i32, i32, i32
  }
  func.func @transform_1(%arg0: i32) -> (i32, i32, i32) {
    %c0_i32 = arith.constant 0 : i32
    %c0_i32_0 = arith.constant 0 : i32
    %c0_i32_1 = arith.constant 0 : i32
    return %arg0, %c0_i32, %c0_i32_0 : i32, i32, i32
  }
  func.func @transform_2(%arg0: i32) -> (i32, i32, i32) {
    %c0_i32 = arith.constant 0 : i32
    %c0_i32_0 = arith.constant 0 : i32
    %c0_i32_1 = arith.constant 0 : i32
    return %arg0, %c0_i32, %c0_i32_0 : i32, i32, i32
  }
  func.func @transform_3(%arg0: i32) -> (i32, i32) {
    %c0_i32 = arith.constant 0 : i32
    %c0_i32_0 = arith.constant 0 : i32
    %c0_i32_1 = arith.constant 0 : i32
    return %c0_i32, %c0_i32_0 : i32, i32
  }
  func.func @transform_4(%arg0: i32) -> (i32, i32) {
    %c0_i32 = arith.constant 0 : i32
    %c0_i32_0 = arith.constant 0 : i32
    %c0_i32_1 = arith.constant 0 : i32
    return %c0_i32, %c0_i32_0 : i32, i32
  }
  func.func @transform_5(%arg0: i32) -> (i32, i32) {
    %c0_i32 = arith.constant 0 : i32
    %c0_i32_0 = arith.constant 0 : i32
    %c0_i32_1 = arith.constant 0 : i32
    return %c0_i32, %c0_i32_0 : i32, i32
  }
  func.func @transform_6(%arg0: i32) -> (i32, i32) {
    %c0_i32 = arith.constant 0 : i32
    %c0_i32_0 = arith.constant 0 : i32
    %c0_i32_1 = arith.constant 0 : i32
    return %c0_i32, %c0_i32_0 : i32, i32
  }
  func.func @transform_7(%arg0: i32) -> (i32, i32) {
    %c0_i32 = arith.constant 0 : i32
    %c0_i32_0 = arith.constant 0 : i32
    %c0_i32_1 = arith.constant 0 : i32
    return %c0_i32, %c0_i32_0 : i32, i32
  }
  func.func @transform_8(%arg0: i32) -> (i32, i32) {
    %c0_i32 = arith.constant 0 : i32
    %c0_i32_0 = arith.constant 0 : i32
    %c0_i32_1 = arith.constant 0 : i32
    return %c0_i32, %c0_i32_0 : i32, i32
  }
  func.func @transform_9(%arg0: i32) -> (i32, i32) {
    %c0_i32 = arith.constant 0 : i32
    %c0_i32_0 = arith.constant 0 : i32
    %c0_i32_1 = arith.constant 0 : i32
    return %c0_i32, %c0_i32_0 : i32, i32
  }
  func.func @transform_10(%arg0: i32) -> (i32, i32) {
    %c0_i32 = arith.constant 0 : i32
    %c0_i32_0 = arith.constant 0 : i32
    %c0_i32_1 = arith.constant 0 : i32
    return %c0_i32, %c0_i32_0 : i32, i32
  }
  func.func @transform_11(%arg0: i32) -> (i32, i32, i32) {
    %c0_i32 = arith.constant 0 : i32
    %c0_i32_0 = arith.constant 0 : i32
    %c0_i32_1 = arith.constant 0 : i32
    return %arg0, %c0_i32, %c0_i32_0 : i32, i32, i32
  }
}

</mosaic_0001>

<sc_bundles>
// kernel: kernel.6.cloned.1.call-start
scs
__scs_entry_jumppad:
0x0: {  	(pc) =	sbr.rel $0x88, $3  }
0x1: {  	(tag) =	ssettag $0x0;
	lr =	simm.s32 $0x1  }
0x2: {  	[smem:$0x3F95] =	sst lr;
	_ =	strace $0xD0000000  }
0x3: {  	_ = 	snop  }
0x4: {  	_ = 	snop  }
0x5: {  	_ = 	snop  }
0x6: {  	_ = 	snop  }
0x7: {  	_ = 	snop  }
__scs_overlays_trampoline_lowered:
0x8: {  	[smem:$0x3FA4] =	sst s0  }
0x9: {  	[smem:$0x3FA5] =	sst s1  }
0xa: {  	[smem:$0x3FA6] =	sst s2  }
0xb: {  	[smem:$0x3FA7] =	sst s3  }
0xc: {  	[smem:$0x3FA8] =	sst s4  }
0xd: {  	[smem:$0x3FA9] =	sst s5  }
0xe: {  	[smem:$0x3FAA] =	sst s6  }
0xf: {  	[smem:$0x3FAB] =	sst s7  }
0x10: {  	[smem:$0x3FAC] =	sst s8  }
0x11: {  	[smem:$0x3FAD] =	sst s9;
	s0 =	simm.s32 @!p0 $0x0  }
0x12: {  	s1 =	sld [smem:$0x3F93];
	s0 =	simm.s32 @p0 $0x1  }
0x13: {  	[smem:$0x3FAE] =	sst s0;
	s0 =	simm.s32 @!p1 $0x0  }
0x14: {  	s2 =	sld [smem:$0x3F92];
	s0 =	simm.s32 @p1 $0x1  }
0x15: {  	[smem:$0x3FAF] =	sst s0;
	s0 =	simm.s32 @!p2 $0x0  }
0x16: {  	s3 =	sld [smem:$0x3FDB];
	s0 =	simm.s32 @p2 $0x1  }
0x17: {  	s4 =	simm.s32 $0x1BF5;
	[smem:$0x3FB1] =	sst s0  }
0x18: {  	s0 =	sld [smem:$0x3F94];
	_ =	swait.ge [sflag:s4], $0x0  }
0x19: {  	s7 =	sld [smem:$0x3F95]  }
0x1a: {  	s8 =	sadd.s32 $0xFFFFE003, lr  }
0x1b: {  	s9 =	sadd.s32 $0xFFFFFEF7, lr;
	s5 =	simm.s32 $0xFFFFFFFF;
	p2 =	slt.u32 s8, $0xFFFFF086  }
0x1c: {  	p1 =	slt.u32 s9, $0xF7A;
	s5 =	simm.s32 @!p2 $0x0  }
0x1d: {  	s5 =	simm.s32 @p1 $0x1;
	p0 =	seq.s32 s7, s2  }
0x1e: {  	s7 =	smul.u32 @!p0 $0xF7A, s2;
	p2 =	seq.s32 @!p0 s5, $0x0  }
0x1f: {  	s9 =	smul.u32 $0xF7A, s1;
	s8 =	simm.s32 @!p0 $0x1BF5;
	p2 =	por !p2, p0  }
0x20: {  	[sflag:s8] =	ssyncset.s32 @!p0 $0xFFFFF086;
	s6 =	sadd.s32 @!p0 s3, s7;
	s7 =	simm.s32 @!p0 $0x108  }
0x21: {  	s3 =	sadd.s32 s3, s9;
	s6 =	sadd.s32 @!p0 $0x88, s6;
	s7 =	simm.s32 @p2 $0x1082  }
0x22: {  	[simem:s7], [sflag:s8] =	dma.local @!p0 [hbm:s6], $0xF7A  }
0x23: {  	s9 =	sor.u32 $0xD0000000, s2;
	s6 =	simm.s32 $0x108;
	_ =	swait.ge @!p0 [sflag:s8], $0x0  }
0x24: {  	s3 =	sadd.s32 $0x88, s3;
	s6 =	simm.s32 @!p1 $0x1082;
	[sflag:s4] =	ssyncset.s32 $0xFFFFF086  }
0x25: {  	[simem:s6], [sflag:s4] =	dma.local [hbm:s3], $0xF7A  }
0x26: {  	[smem:$0x3F95] =	sst s1;
	(tag) =	ssettag s2;
	_ =	strace s9  }
0x27: {  	s1 =	sld [smem:$0x3FA5]  }
0x28: {  	s2 =	sld [smem:$0x3FA6]  }
0x29: {  	s4 =	sld [smem:$0x3FA8]  }
0x2a: {  	p0 =	seq.s32 s5, $0x0;
	s5 =	sld [smem:$0x3FA9]  }
0x2b: {  	s6 =	sld [smem:$0x3FAA]  }
0x2c: {  	s7 =	sld [smem:$0x3FAB]  }
0x2d: {  	s3 =	simm.s32 $0x108;
	s8 =	sld [smem:$0x3FAC]  }
0x2e: {  	s3 =	simm.s32 @!p0 $0x1082;
	s9 =	sld [smem:$0x3FAD]  }
0x2f: {  	lr =	sadd.s32 s0, s3;
	s0 =	sld [smem:$0x3FA4]  }
0x30: {  	s3 =	sld [smem:$0x3FA7]  }
0x31: {  	[smem:$0x3FB0] =	sst s10  }
0x32: {  	s10 =	sld [smem:$0x3FAE];
	_ =	sdelay $0x3  }
0x33: {  	p0 =	seq.s32 s10, $0x1;
	s10 =	sld [smem:$0x3FB0];
	_ =	sdelay $0x3  }
0x34: {  	[smem:$0x3FB0] =	sst s10  }
0x35: {  	s10 =	sld [smem:$0x3FAF];
	_ =	sdelay $0x3  }
0x36: {  	p1 =	seq.s32 s10, $0x1;
	s10 =	sld [smem:$0x3FB0];
	_ =	sdelay $0x3  }
0x37: {  	[smem:$0x3FB0] =	sst s10  }
0x38: {  	s10 =	sld [smem:$0x3FB1]  }
0x39: {  	_ = 	snop;
	(pc) =	sbr.ind lr, $3  }
0x3a: {  	_ = 	snop  }
0x3b: {  	_ = 	snop  }
0x3c: {  	p2 =	seq.s32 s10, $0x1;
	s10 =	sld [smem:$0x3FB0]  }
0x3d: {  	_ =	shalt  }
0x3e: {  	_ =	shalt  }
0x3f: {  	_ =	shalt  }
0x40: {  	_ =	shalt  }
0x41: {  	_ =	shalt  }
0x42: {  	_ =	shalt  }
0x43: {  	_ =	shalt  }
0x44: {  	_ =	shalt  }
0x45: {  	_ =	shalt  }
0x46: {  	_ =	shalt  }
0x47: {  	_ =	shalt  }
0x48: {  	_ =	shalt  }
0x49: {  	_ =	shalt  }
0x4a: {  	_ =	shalt  }
0x4b: {  	_ =	shalt  }
0x4c: {  	_ =	shalt  }
0x4d: {  	_ =	shalt  }
0x4e: {  	_ =	shalt  }
0x4f: {  	_ =	shalt  }
0x50: {  	_ =	shalt  }
0x51: {  	_ =	shalt  }
0x52: {  	_ =	shalt  }
0x53: {  	_ =	shalt  }
0x54: {  	_ =	shalt  }
0x55: {  	_ =	shalt  }
0x56: {  	_ =	shalt  }
0x57: {  	_ =	shalt  }
0x58: {  	_ =	shalt  }
0x59: {  	_ =	shalt  }
0x5a: {  	_ =	shalt  }
0x5b: {  	_ =	shalt  }
0x5c: {  	_ =	shalt  }
0x5d: {  	_ =	shalt  }
0x5e: {  	_ =	shalt  }
0x5f: {  	_ =	shalt  }
0x60: {  	_ =	shalt  }
0x61: {  	_ =	shalt  }
0x62: {  	_ =	shalt  }
0x63: {  	_ =	shalt  }
0x64: {  	_ =	shalt  }
0x65: {  	_ =	shalt  }
0x66: {  	_ =	shalt  }
0x67: {  	_ =	shalt  }
0x68: {  	_ =	shalt  }
0x69: {  	_ =	shalt  }
0x6a: {  	_ =	shalt  }
0x6b: {  	_ =	shalt  }
0x6c: {  	_ =	shalt  }
0x6d: {  	_ =	shalt  }
0x6e: {  	_ =	shalt  }
0x6f: {  	_ =	shalt  }
0x70: {  	_ =	shalt  }
0x71: {  	_ =	shalt  }
0x72: {  	_ =	shalt  }
0x73: {  	_ =	shalt  }
0x74: {  	_ =	shalt  }
0x75: {  	_ =	shalt  }
0x76: {  	_ =	shalt  }
0x77: {  	_ =	shalt  }
0x78: {  	_ =	shalt  }
0x79: {  	_ =	shalt  }
0x7a: {  	_ =	shalt  }
0x7b: {  	_ =	shalt  }
0x7c: {  	_ =	shalt  }
0x7d: {  	_ =	shalt  }
0x7e: {  	_ =	shalt  }
0x7f: {  	_ =	shalt  }
0x80: {  	_ =	shalt  }
0x81: {  	_ =	shalt  }
0x82: {  	_ =	shalt  }
0x83: {  	_ =	shalt  }
0x84: {  	_ =	shalt  }
0x85: {  	_ =	shalt  }
0x86: {  	_ =	shalt  }
0x87: {  	_ =	shalt  }
.Lfunc_end0:
.L_simem_size_0:
called_computation_lowered:
.L_overlay_start_0:
0x88: {  	s2 =	sld [smem:$0x3FD9]  }
0x89: {  	s3 =	sld [smem:$0x3FFE];
	_ =	sdelay $0x1  }
0x8a: {  	s1 =	srdreg.scid  }
0x8b: {  	s0 =	sand.u32 $0x1, s1  }
0x8c: {  	s16 =	sshll.u32 s0, $0xA;
	s2 =	sadd.s32 s3, s2  }
0x8d: {  	s2 =	sadd.s32 s2, s16  }
0x8e: {  	[smem:$0x3FBC] =	sst s2  }
0x8f: {  	_ = 	snop  }
0x90: {  	(tm) =	ssettm $0x1  }
0x91: {  	s17 =	sld [smem:$0x3FFB];
	_ =	sdelay $0x3  }
0x92: {  	_ =	strace s17  }
0x93: {  	s2 =	sld [smem:$0x3FFC];
	_ =	sdelay $0x3  }
0x94: {  	_ =	strace s2  }
0x95: {  	s2 =	sld [smem:$0x3FFD];
	_ =	sdelay $0x3  }
0x96: {  	_ =	strace s2  }
0x97: {  	_ =	strace $0x8FFFFFFF  }
0x98: {  	s18 =	sld [smem:$0x3FDB];
	_ =	sdelay $0x1  }
0x99: {  	s19 =	simm.s32 $_scs_section_size  }
0x9a: {  	s4 =	simm.s32 $_size__tile_overlayer_lowered;
	s5 =	simm.s32 $_tile_overlayer_lowered  }
0x9b: {  	s22 =	simm.s32 $0x1BFF;
	s21 =	sshll.u32 s5, $0x1;
	s2 =	sadd.s32 s19, s18  }
0x9c: {  	s6 =	simm.s32 $0x0;
	s20 =	sshll.u32 s4, $0x1;
	s4 =	sadd.s32 s21, s2  }
0x9d: {  	[timem:s6], [sflag:s22] =	dma.local [hbm:s4], s20  }
0x9e: {  	_ =	swait.ge [sflag:s22], s20  }
0x9f: {  	s3 =	ssub.s32 $0x0, s20;
	[sflag:s22] =	ssyncset.done $0x0  }
0xa0: {  	[sflag:s22] =	ssyncadd.s32 s3;
	_ =	sdelay $0x1  }
0xa1: {  	s23 =	simm.s32 $0x1B8B  }
0xa2: {  	_ =	swait.ge [sflag:s23], $0x1  }
0xa3: {  	[sflag:s23] =	ssyncset.done $0x0  }
0xa4: {  	s25 =	simm.s32 $0x1B8E;
	s24 =	sld [smem:$0x3FFE];
	[sflag:s23] =	ssyncadd.s32 $0xFFFFFFFF  }
0xa5: {  	s26 =	simm.s32 $execute0_lowered;
	[smem:$0x3FD2] =	sst s25  }
0xa6: {  	s4 =	sshll.u32 s26, $0x1;
	_ =	strace $0x80000046;
	[dreg:$0x1] =	wrdreg $0xFFFFFFFF  }
0xa7: {  	s28 =	simm.s32 $_size_execute0_lowered;
	s2 =	sadd.s32 s2, s4;
	[dreg:$0x0] =	wrdreg $0x0  }
0xa8: {  	s4 =	sshll.u32 s28, $0x1;
	[dreg:$0x2] =	wrdreg s2  }
0xa9: {  	[dreg:$0x3] =	wrdreg s4  }
0xaa: {  	[dreg:$0x4] =	wrdreg $0xC0  }
0xab: {  	_ =	task [dreg:s6], $0x5FFFF  }
0xac: {  	[dreg:$0x1] =	wrdreg $0xFFFFFFFF  }
0xad: {  	[dreg:$0x0] =	wrdreg $0x60  }
0xae: {  	[dreg:$0x2] =	wrdreg s24  }
0xaf: {  	[dreg:$0x3] =	wrdreg $0x9  }
0xb0: {  	_ =	task.clear_ibuf [dreg:s6], $0x4FFFF;
	_ =	strace $0x90000046  }
0xb1: {  	s29 =	simm.s32 $0x9;
	_ =	strace $0x80000048  }
0xb2: {  	_ =	swait.ge [sflag:s29], $0x1  }
0xb3: {  	[sflag:s29] =	ssyncadd.s32 $0xFFFFFFFF  }
0xb4: {  	_ =	strace $0x90000048  }
0xb5: {  	_ =	sfence  }
0xb6: {  	s30 =	sld [smem:$0x0];
	_ =	sdelay $0x2  }
0xb7: {  	s31 =	sshll.u32 s1, $0xD;
	s1 =	sshrl.u32 s1, $0x2  }
0xb8: {  	s3 =	sand.u32 $0x4000, s31;
	s1 =	sadd.s32 s1, s30  }
0xb9: {  	s0 =	sor.u32 s3, s0;
	s1 =	sshll.u32 s1, $0x11  }
0xba: {  	s0 =	sor.u32 s1, s0  }
0xbb: {  	s0 =	sadd.s32 $0x8F2B, s0  }
0xbc: {  	[sflag:s0] =	ssyncadd.remote.s32 $0x1  }
0xbd: {  	_ =	sfence.sel $0xFFFF  }
0xbe: {  	[dreg:$0x0] =	wrdreg $0xFFFFFFFF;
	(pc) =	sbr.abs _section_cstart, $3  }
0xbf: {  	[dreg:$0x1] =	wrdreg $0xFFFFFFFF  }
0xc0: {  	_ =	task.clear_ibuf [dreg:s6], $0x2FFFF;
	_ =	strace $0x9FFFFFFF  }
0xc1: {  	(tm) =	ssettm $0x7FFFFFFF  }
tec
execute0_lowered:
.L_overlay_start_1:
0x0: {  	(tag) =	ssettag $0x1  }
0x1: {  	s4 =	rddreg [dreg:$0x0];
	s0 =	srdreg.scid  }
0x2: {  	s1 =	stileid.u32;
	s2 =	simm.s32 $0x0;
	s31 =	sand.u32 $0x1, s0  }
0x3: {  	s1 =	sshll.u32 s1, $0xE;
	[smem:$0x7FF] =	sst s2;
	s3 =	sshll.u32 s31, $0xD  }
0x4: {  	s30 =	sadd.s32 $0x1E00, s4;
	s0 =	sadd.s32 $0x29E00, s4;
	s1 =	sor.u32 s3, s1  }
0x5: {  	_ =	strace $0x80000047;
	s3 =	sshrl.u32 s1, $0x3;
	s5 =	sshll.u32 s1, $0x4  }
0x6: {  	s9 =	sor.u32 $0x200, s1;
	s6 =	sor.u32 $0x400, s1;
	s3 =	sadd.s32 s30, s3  }
0x7: {  	s8 =	sadd.s32 s0, s5;
	s10 =	sshrl.u32 s9, $0x3;
	[dreg:$0x2] =	wrdreg s3  }
0x8: {  	s5 =	sshll.u32 s9, $0x4;
	[dreg:$0x3] =	wrdreg s8;
	s3 =	sadd.s32 s30, s10  }
0x9: {  	s12 =	sshrl.u32 s6, $0x3;
	s11 =	sadd.s32 s0, s5;
	[dreg:$0x4] =	wrdreg s3  }
0xa: {  	s14 =	sshll.u32 s6, $0x4;
	s13 =	sadd.s32 s30, s12;
	[dreg:$0x5] =	wrdreg s11  }
0xb: {  	s16 =	sor.u32 $0x600, s1;
	s15 =	sadd.s32 s0, s14;
	[dreg:$0x6] =	wrdreg s13  }
0xc: {  	s17 =	sshrl.u32 s16, $0x3;
	[dreg:$0x7] =	wrdreg s15  }
0xd: {  	s5 =	sshll.u32 s16, $0x4;
	s3 =	sadd.s32 s30, s17;
	s18 =	rddreg [dreg:$0x2]  }
0xe: {  	s19 =	sadd.s32 s0, s5;
	[dreg:$0x8] =	wrdreg s3  }
0xf: {  	[dreg:$0x9] =	wrdreg s19;
	s3 =	simm.s32 $0x2  }
0x10: {  	[tilespmem:s2], [sflag:$0x2] =	stream.linear.gather [hbm4b:s18+s2], $0x200, $0x38;
	[tilespmem:$0x10200] =	vst v63  }
0x11: {  	_ =	swait.ge [sflag:s3], $0x200  }
0x12: {  	s4 =	sadd.s32 $0x9E00, s4;
	[sflag:s3] =	ssyncset.done $0x0  }
0x13: {  	s6 =	simm.s32 $0x1;
	s5 =	simm.s32 $0x200;
	[sflag:s3] =	ssyncadd.s32 $0xFFFFFE00  }
0x14: {  	[tilespmem:s5], [sflag:$0x1] =	stream.indirect.gather [hbm4b:s4+s5], $0x80, s2, s5, $0xb8;
	[tilespmem:$0x10200] =	vst v63  }
0x15: {  	_ =	swait.ge [sflag:s6], $0x10000  }
0x16: {  	[sflag:s6] =	ssyncset.done $0x0  }
0x17: {  	s7 =	rddreg [dreg:$0x3];
	[sflag:s6] =	ssyncadd.s32 $0xFFFF0000  }
0x18: {  	[hbm4b:s7+s2] =	stream.linear.scatter [tilespmem:s5], [sflag:$0x2], $0x10000, $0x38;
	[tilespmem:$0x10200] =	vst v63  }
0x19: {  	_ =	swait.ge [sflag:s3], $0x10000  }
0x1a: {  	[sflag:s3] =	ssyncset.done $0x0  }
0x1b: {  	s20 =	rddreg [dreg:$0x4];
	[sflag:s3] =	ssyncadd.s32 $0xFFFF0000  }
0x1c: {  	[tilespmem:s2], [sflag:$0x2] =	stream.linear.gather [hbm4b:s20+s2], $0x200, $0x38;
	[tilespmem:$0x10200] =	vst v63  }
0x1d: {  	_ =	swait.ge [sflag:s3], $0x200  }
0x1e: {  	[sflag:s3] =	ssyncset.done $0x0  }
0x1f: {  	[sflag:s3] =	ssyncadd.s32 $0xFFFFFE00  }
0x20: {  	[tilespmem:s5], [sflag:$0x1] =	stream.indirect.gather [hbm4b:s4+s5], $0x80, s2, s5, $0xb8;
	[tilespmem:$0x10200] =	vst v63  }
0x21: {  	_ =	swait.ge [sflag:s6], $0x10000  }
0x22: {  	[sflag:s6] =	ssyncset.done $0x0  }
0x23: {  	s21 =	rddreg [dreg:$0x5];
	[sflag:s6] =	ssyncadd.s32 $0xFFFF0000  }
0x24: {  	[hbm4b:s21+s2] =	stream.linear.scatter [tilespmem:s5], [sflag:$0x2], $0x10000, $0x38;
	[tilespmem:$0x10200] =	vst v63  }
0x25: {  	_ =	swait.ge [sflag:s3], $0x10000  }
0x26: {  	[sflag:s3] =	ssyncset.done $0x0  }
0x27: {  	s22 =	rddreg [dreg:$0x6];
	[sflag:s3] =	ssyncadd.s32 $0xFFFF0000  }
0x28: {  	[tilespmem:s2], [sflag:$0x2] =	stream.linear.gather [hbm4b:s22+s2], $0x200, $0x38;
	[tilespmem:$0x10200] =	vst v63  }
0x29: {  	_ =	swait.ge [sflag:s3], $0x200  }
0x2a: {  	[sflag:s3] =	ssyncset.done $0x0  }
0x2b: {  	[sflag:s3] =	ssyncadd.s32 $0xFFFFFE00  }
0x2c: {  	[tilespmem:s5], [sflag:$0x1] =	stream.indirect.gather [hbm4b:s4+s5], $0x80, s2, s5, $0xb8;
	[tilespmem:$0x10200] =	vst v63  }
0x2d: {  	_ =	swait.ge [sflag:s6], $0x10000  }
0x2e: {  	[sflag:s6] =	ssyncset.done $0x0  }
0x2f: {  	s23 =	rddreg [dreg:$0x7];
	[sflag:s6] =	ssyncadd.s32 $0xFFFF0000  }
0x30: {  	[hbm4b:s23+s2] =	stream.linear.scatter [tilespmem:s5], [sflag:$0x2], $0x10000, $0x38;
	[tilespmem:$0x10200] =	vst v63  }
0x31: {  	_ =	swait.ge [sflag:s3], $0x10000  }
0x32: {  	[sflag:s3] =	ssyncset.done $0x0  }
0x33: {  	s24 =	rddreg [dreg:$0x8];
	[sflag:s3] =	ssyncadd.s32 $0xFFFF0000  }
0x34: {  	[tilespmem:s2], [sflag:$0x2] =	stream.linear.gather [hbm4b:s24+s2], $0x200, $0x38;
	[tilespmem:$0x10200] =	vst v63  }
0x35: {  	_ =	swait.ge [sflag:s3], $0x200  }
0x36: {  	[sflag:s3] =	ssyncset.done $0x0  }
0x37: {  	[sflag:s3] =	ssyncadd.s32 $0xFFFFFE00  }
0x38: {  	[tilespmem:s5], [sflag:$0x1] =	stream.indirect.gather [hbm4b:s4+s5], $0x80, s2, s5, $0xb8;
	[tilespmem:$0x10200] =	vst v63  }
0x39: {  	_ =	swait.ge [sflag:s6], $0x10000  }
0x3a: {  	[sflag:s6] =	ssyncset.done $0x0  }
0x3b: {  	s25 =	rddreg [dreg:$0x9];
	[sflag:s6] =	ssyncadd.s32 $0xFFFF0000  }
0x3c: {  	[hbm4b:s25+s2] =	stream.linear.scatter [tilespmem:s5], [sflag:$0x2], $0x10000, $0x38;
	[tilespmem:$0x10200] =	vst v63  }
0x3d: {  	s8 =	sor.u32 $0x800, s1;
	_ =	swait.ge [sflag:s3], $0x10000  }
0x3e: {  	s26 =	sshrl.u32 s8, $0x3;
	[sflag:s3] =	ssyncset.done $0x0  }
0x3f: {  	s7 =	sadd.s32 s30, s26;
	[sflag:s3] =	ssyncadd.s32 $0xFFFF0000  }
0x40: {  	[tilespmem:s2], [sflag:$0x2] =	stream.linear.gather [hbm4b:s7+s2], $0x200, $0x38;
	[tilespmem:$0x10200] =	vst v63  }
0x41: {  	_ =	swait.ge [sflag:s3], $0x200  }
0x42: {  	[sflag:s3] =	ssyncset.done $0x0  }
0x43: {  	[sflag:s3] =	ssyncadd.s32 $0xFFFFFE00  }
0x44: {  	[tilespmem:s5], [sflag:$0x1] =	stream.indirect.gather [hbm4b:s4+s5], $0x80, s2, s5, $0xb8;
	[tilespmem:$0x10200] =	vst v63  }
0x45: {  	_ =	swait.ge [sflag:s6], $0x10000  }
0x46: {  	s8 =	sshll.u32 s8, $0x4;
	[sflag:s6] =	ssyncset.done $0x0  }
0x47: {  	s8 =	sadd.s32 s0, s8;
	[sflag:s6] =	ssyncadd.s32 $0xFFFF0000  }
0x48: {  	[hbm4b:s8+s2] =	stream.linear.scatter [tilespmem:s5], [sflag:$0x2], $0x10000, $0x38;
	[tilespmem:$0x10200] =	vst v63  }
0x49: {  	s10 =	sor.u32 $0xA00, s1;
	_ =	swait.ge [sflag:s3], $0x10000  }
0x4a: {  	s9 =	sshrl.u32 s10, $0x3;
	[sflag:s3] =	ssyncset.done $0x0  }
0x4b: {  	s9 =	sadd.s32 s30, s9;
	[sflag:s3] =	ssyncadd.s32 $0xFFFF0000  }
0x4c: {  	[tilespmem:s2], [sflag:$0x2] =	stream.linear.gather [hbm4b:s9+s2], $0x200, $0x38;
	[tilespmem:$0x10200] =	vst v63  }
0x4d: {  	_ =	swait.ge [sflag:s3], $0x200  }
0x4e: {  	[sflag:s3] =	ssyncset.done $0x0  }
0x4f: {  	[sflag:s3] =	ssyncadd.s32 $0xFFFFFE00  }
0x50: {  	[tilespmem:s5], [sflag:$0x1] =	stream.indirect.gather [hbm4b:s4+s5], $0x80, s2, s5, $0xb8;
	[tilespmem:$0x10200] =	vst v63  }
0x51: {  	_ =	swait.ge [sflag:s6], $0x10000  }
0x52: {  	s10 =	sshll.u32 s10, $0x4;
	[sflag:s6] =	ssyncset.done $0x0  }
0x53: {  	s10 =	sadd.s32 s0, s10;
	[sflag:s6] =	ssyncadd.s32 $0xFFFF0000  }
0x54: {  	[hbm4b:s10+s2] =	stream.linear.scatter [tilespmem:s5], [sflag:$0x2], $0x10000, $0x38;
	[tilespmem:$0x10200] =	vst v63  }
0x55: {  	s12 =	sor.u32 $0xC00, s1;
	_ =	swait.ge [sflag:s3], $0x10000  }
0x56: {  	s11 =	sshrl.u32 s12, $0x3;
	[sflag:s3] =	ssyncset.done $0x0  }
0x57: {  	s11 =	sadd.s32 s30, s11;
	[sflag:s3] =	ssyncadd.s32 $0xFFFF0000  }
0x58: {  	[tilespmem:s2], [sflag:$0x2] =	stream.linear.gather [hbm4b:s11+s2], $0x200, $0x38;
	[tilespmem:$0x10200] =	vst v63  }
0x59: {  	_ =	swait.ge [sflag:s3], $0x200  }
0x5a: {  	[sflag:s3] =	ssyncset.done $0x0  }
0x5b: {  	[sflag:s3] =	ssyncadd.s32 $0xFFFFFE00  }
0x5c: {  	[tilespmem:s5], [sflag:$0x1] =	stream.indirect.gather [hbm4b:s4+s5], $0x80, s2, s5, $0xb8;
	[tilespmem:$0x10200] =	vst v63  }
0x5d: {  	_ =	swait.ge [sflag:s6], $0x10000  }
0x5e: {  	s12 =	sshll.u32 s12, $0x4;
	[sflag:s6] =	ssyncset.done $0x0  }
0x5f: {  	s12 =	sadd.s32 s0, s12;
	[sflag:s6] =	ssyncadd.s32 $0xFFFF0000  }
0x60: {  	[hbm4b:s12+s2] =	stream.linear.scatter [tilespmem:s5], [sflag:$0x2], $0x10000, $0x38;
	[tilespmem:$0x10200] =	vst v63  }
0x61: {  	s14 =	sor.u32 $0xE00, s1;
	_ =	swait.ge [sflag:s3], $0x10000  }
0x62: {  	s13 =	sshrl.u32 s14, $0x3;
	[sflag:s3] =	ssyncset.done $0x0  }
0x63: {  	s13 =	sadd.s32 s30, s13;
	[sflag:s3] =	ssyncadd.s32 $0xFFFF0000  }
0x64: {  	[tilespmem:s2], [sflag:$0x2] =	stream.linear.gather [hbm4b:s13+s2], $0x200, $0x38;
	[tilespmem:$0x10200] =	vst v63  }
0x65: {  	_ =	swait.ge [sflag:s3], $0x200  }
0x66: {  	[sflag:s3] =	ssyncset.done $0x0  }
0x67: {  	[sflag:s3] =	ssyncadd.s32 $0xFFFFFE00  }
0x68: {  	[tilespmem:s5], [sflag:$0x1] =	stream.indirect.gather [hbm4b:s4+s5], $0x80, s2, s5, $0xb8;
	[tilespmem:$0x10200] =	vst v63  }
0x69: {  	_ =	swait.ge [sflag:s6], $0x10000  }
0x6a: {  	s14 =	sshll.u32 s14, $0x4;
	[sflag:s6] =	ssyncset.done $0x0  }
0x6b: {  	s14 =	sadd.s32 s0, s14;
	[sflag:s6] =	ssyncadd.s32 $0xFFFF0000  }
0x6c: {  	[hbm4b:s14+s2] =	stream.linear.scatter [tilespmem:s5], [sflag:$0x2], $0x10000, $0x38;
	[tilespmem:$0x10200] =	vst v63  }
0x6d: {  	s16 =	sor.u32 $0x1000, s1;
	_ =	swait.ge [sflag:s3], $0x10000  }
0x6e: {  	s15 =	sshrl.u32 s16, $0x3;
	[sflag:s3] =	ssyncset.done $0x0  }
0x6f: {  	s15 =	sadd.s32 s30, s15;
	[sflag:s3] =	ssyncadd.s32 $0xFFFF0000  }
0x70: {  	[tilespmem:s2], [sflag:$0x2] =	stream.linear.gather [hbm4b:s15+s2], $0x200, $0x38;
	[tilespmem:$0x10200] =	vst v63  }
0x71: {  	_ =	swait.ge [sflag:s3], $0x200  }
0x72: {  	[sflag:s3] =	ssyncset.done $0x0  }
0x73: {  	[sflag:s3] =	ssyncadd.s32 $0xFFFFFE00  }
0x74: {  	[tilespmem:s5], [sflag:$0x1] =	stream.indirect.gather [hbm4b:s4+s5], $0x80, s2, s5, $0xb8;
	[tilespmem:$0x10200] =	vst v63  }
0x75: {  	_ =	swait.ge [sflag:s6], $0x10000  }
0x76: {  	s16 =	sshll.u32 s16, $0x4;
	[sflag:s6] =	ssyncset.done $0x0  }
0x77: {  	s16 =	sadd.s32 s0, s16;
	[sflag:s6] =	ssyncadd.s32 $0xFFFF0000  }
0x78: {  	[hbm4b:s16+s2] =	stream.linear.scatter [tilespmem:s5], [sflag:$0x2], $0x10000, $0x38;
	[tilespmem:$0x10200] =	vst v63  }
0x79: {  	s18 =	sor.u32 $0x1200, s1;
	_ =	swait.ge [sflag:s3], $0x10000  }
0x7a: {  	s17 =	sshrl.u32 s18, $0x3;
	[sflag:s3] =	ssyncset.done $0x0  }
0x7b: {  	s17 =	sadd.s32 s30, s17;
	[sflag:s3] =	ssyncadd.s32 $0xFFFF0000  }
0x7c: {  	[tilespmem:s2], [sflag:$0x2] =	stream.linear.gather [hbm4b:s17+s2], $0x200, $0x38;
	[tilespmem:$0x10200] =	vst v63  }
0x7d: {  	_ =	swait.ge [sflag:s3], $0x200  }
0x7e: {  	[sflag:s3] =	ssyncset.done $0x0  }
0x7f: {  	[sflag:s3] =	ssyncadd.s32 $0xFFFFFE00  }
0x80: {  	[tilespmem:s5], [sflag:$0x1] =	stream.indirect.gather [hbm4b:s4+s5], $0x80, s2, s5, $0xb8;
	[tilespmem:$0x10200] =	vst v63  }
0x81: {  	_ =	swait.ge [sflag:s6], $0x10000  }
0x82: {  	s18 =	sshll.u32 s18, $0x4;
	[sflag:s6] =	ssyncset.done $0x0  }
0x83: {  	s18 =	sadd.s32 s0, s18;
	[sflag:s6] =	ssyncadd.s32 $0xFFFF0000  }
0x84: {  	[hbm4b:s18+s2] =	stream.linear.scatter [tilespmem:s5], [sflag:$0x2], $0x10000, $0x38;
	[tilespmem:$0x10200] =	vst v63  }
0x85: {  	s20 =	sor.u32 $0x1400, s1;
	_ =	swait.ge [sflag:s3], $0x10000  }
0x86: {  	s19 =	sshrl.u32 s20, $0x3;
	[sflag:s3] =	ssyncset.done $0x0  }
0x87: {  	s19 =	sadd.s32 s30, s19;
	[sflag:s3] =	ssyncadd.s32 $0xFFFF0000  }
0x88: {  	[tilespmem:s2], [sflag:$0x2] =	stream.linear.gather [hbm4b:s19+s2], $0x200, $0x38;
	[tilespmem:$0x10200] =	vst v63  }
0x89: {  	_ =	swait.ge [sflag:s3], $0x200  }
0x8a: {  	[sflag:s3] =	ssyncset.done $0x0  }
0x8b: {  	[sflag:s3] =	ssyncadd.s32 $0xFFFFFE00  }
0x8c: {  	[tilespmem:s5], [sflag:$0x1] =	stream.indirect.gather [hbm4b:s4+s5], $0x80, s2, s5, $0xb8;
	[tilespmem:$0x10200] =	vst v63  }
0x8d: {  	_ =	swait.ge [sflag:s6], $0x10000  }
0x8e: {  	s20 =	sshll.u32 s20, $0x4;
	[sflag:s6] =	ssyncset.done $0x0  }
0x8f: {  	s20 =	sadd.s32 s0, s20;
	[sflag:s6] =	ssyncadd.s32 $0xFFFF0000  }
0x90: {  	[hbm4b:s20+s2] =	stream.linear.scatter [tilespmem:s5], [sflag:$0x2], $0x10000, $0x38;
	[tilespmem:$0x10200] =	vst v63  }
0x91: {  	s22 =	sor.u32 $0x1600, s1;
	_ =	swait.ge [sflag:s3], $0x10000  }
0x92: {  	s21 =	sshrl.u32 s22, $0x3;
	[sflag:s3] =	ssyncset.done $0x0  }
0x93: {  	s21 =	sadd.s32 s30, s21;
	[sflag:s3] =	ssyncadd.s32 $0xFFFF0000  }
0x94: {  	[tilespmem:s2], [sflag:$0x2] =	stream.linear.gather [hbm4b:s21+s2], $0x200, $0x38;
	[tilespmem:$0x10200] =	vst v63  }
0x95: {  	_ =	swait.ge [sflag:s3], $0x200  }
0x96: {  	[sflag:s3] =	ssyncset.done $0x0  }
0x97: {  	[sflag:s3] =	ssyncadd.s32 $0xFFFFFE00  }
0x98: {  	[tilespmem:s5], [sflag:$0x1] =	stream.indirect.gather [hbm4b:s4+s5], $0x80, s2, s5, $0xb8;
	[tilespmem:$0x10200] =	vst v63  }
0x99: {  	_ =	swait.ge [sflag:s6], $0x10000  }
0x9a: {  	s22 =	sshll.u32 s22, $0x4;
	[sflag:s6] =	ssyncset.done $0x0  }
0x9b: {  	s22 =	sadd.s32 s0, s22;
	[sflag:s6] =	ssyncadd.s32 $0xFFFF0000  }
0x9c: {  	[hbm4b:s22+s2] =	stream.linear.scatter [tilespmem:s5], [sflag:$0x2], $0x10000, $0x38;
	[tilespmem:$0x10200] =	vst v63  }
0x9d: {  	s24 =	sor.u32 $0x1800, s1;
	_ =	swait.ge [sflag:s3], $0x10000  }
0x9e: {  	s23 =	sshrl.u32 s24, $0x3;
	[sflag:s3] =	ssyncset.done $0x0  }
0x9f: {  	s23 =	sadd.s32 s30, s23;
	[sflag:s3] =	ssyncadd.s32 $0xFFFF0000  }
0xa0: {  	[tilespmem:s2], [sflag:$0x2] =	stream.linear.gather [hbm4b:s23+s2], $0x200, $0x38;
	[tilespmem:$0x10200] =	vst v63  }
0xa1: {  	_ =	swait.ge [sflag:s3], $0x200  }
0xa2: {  	[sflag:s3] =	ssyncset.done $0x0  }
0xa3: {  	[sflag:s3] =	ssyncadd.s32 $0xFFFFFE00  }
0xa4: {  	[tilespmem:s5], [sflag:$0x1] =	stream.indirect.gather [hbm4b:s4+s5], $0x80, s2, s5, $0xb8;
	[tilespmem:$0x10200] =	vst v63  }
0xa5: {  	_ =	swait.ge [sflag:s6], $0x10000  }
0xa6: {  	s24 =	sshll.u32 s24, $0x4;
	[sflag:s6] =	ssyncset.done $0x0  }
0xa7: {  	s24 =	sadd.s32 s0, s24;
	[sflag:s6] =	ssyncadd.s32 $0xFFFF0000  }
0xa8: {  	[hbm4b:s24+s2] =	stream.linear.scatter [tilespmem:s5], [sflag:$0x2], $0x10000, $0x38;
	[tilespmem:$0x10200] =	vst v63  }
0xa9: {  	s26 =	sor.u32 $0x1A00, s1;
	_ =	swait.ge [sflag:s3], $0x10000  }
0xaa: {  	s25 =	sshrl.u32 s26, $0x3;
	[sflag:s3] =	ssyncset.done $0x0  }
0xab: {  	s25 =	sadd.s32 s30, s25;
	[sflag:s3] =	ssyncadd.s32 $0xFFFF0000  }
0xac: {  	[tilespmem:s2], [sflag:$0x2] =	stream.linear.gather [hbm4b:s25+s2], $0x200, $0x38;
	[tilespmem:$0x10200] =	vst v63  }
0xad: {  	_ =	swait.ge [sflag:s3], $0x200  }
0xae: {  	[sflag:s3] =	ssyncset.done $0x0  }
0xaf: {  	[sflag:s3] =	ssyncadd.s32 $0xFFFFFE00  }
0xb0: {  	[tilespmem:s5], [sflag:$0x1] =	stream.indirect.gather [hbm4b:s4+s5], $0x80, s2, s5, $0xb8;
	[tilespmem:$0x10200] =	vst v63  }
0xb1: {  	_ =	swait.ge [sflag:s6], $0x10000  }
0xb2: {  	s26 =	sshll.u32 s26, $0x4;
	[sflag:s6] =	ssyncset.done $0x0  }
0xb3: {  	s26 =	sadd.s32 s0, s26;
	[dreg:$0xa] =	wrdreg s0;
	[sflag:s6] =	ssyncadd.s32 $0xFFFF0000  }
0xb4: {  	[hbm4b:s26+s2] =	stream.linear.scatter [tilespmem:s5], [sflag:$0x2], $0x10000, $0x38;
	[tilespmem:$0x10200] =	vst v63  }
0xb5: {  	s29 =	sor.u32 $0x1C00, s1;
	_ =	swait.ge [sflag:s3], $0x10000  }
0xb6: {  	s28 =	sshrl.u32 s29, $0x3;
	[sflag:s3] =	ssyncset.done $0x0  }
0xb7: {  	s28 =	sadd.s32 s30, s28;
	[sflag:s3] =	ssyncadd.s32 $0xFFFF0000  }
0xb8: {  	[tilespmem:s2], [sflag:$0x2] =	stream.linear.gather [hbm4b:s28+s2], $0x200, $0x38;
	[tilespmem:$0x10200] =	vst v63  }
0xb9: {  	_ =	swait.ge [sflag:s3], $0x200  }
0xba: {  	[sflag:s3] =	ssyncset.done $0x0  }
0xbb: {  	[sflag:s3] =	ssyncadd.s32 $0xFFFFFE00  }
0xbc: {  	[tilespmem:s5], [sflag:$0x1] =	stream.indirect.gather [hbm4b:s4+s5], $0x80, s2, s5, $0xb8;
	[tilespmem:$0x10200] =	vst v63  }
0xbd: {  	_ =	swait.ge [sflag:s6], $0x10000  }
0xbe: {  	s29 =	sshll.u32 s29, $0x4;
	[sflag:s6] =	ssyncset.done $0x0  }
0xbf: {  	s29 =	sadd.s32 s0, s29;
	s1 =	sor.u32 $0x1E00, s1;
	[sflag:s6] =	ssyncadd.s32 $0xFFFF0000  }
0xc0: {  	[hbm4b:s29+s2] =	stream.linear.scatter [tilespmem:s5], [sflag:$0x2], $0x10000, $0x38;
	[tilespmem:$0x10200] =	vst v63  }
0xc1: {  	s0 =	sshrl.u32 s1, $0x3;
	_ =	swait.ge [sflag:s3], $0x10000  }
0xc2: {  	s30 =	sadd.s32 s30, s0;
	s0 =	ssub.s32 $0x2, s31;
	[sflag:s3] =	ssyncset.done $0x0  }
0xc3: {  	s31 =	sshrl.u32 s0, $0x1;
	[sflag:s3] =	ssyncadd.s32 $0xFFFF0000  }
0xc4: {  	[tilespmem:s2], [sflag:$0x2] =	stream.linear.gather [hbm4b:s30+s2], $0x200, $0x38;
	[tilespmem:$0x10200] =	vst v63  }
0xc5: {  	s0 =	ssub.s32 s0, s31;
	_ =	swait.ge [sflag:s3], $0x200  }
0xc6: {  	s0 =	smax.u32 s0, $0x1;
	[sflag:s3] =	ssyncset.done $0x0  }
0xc7: {  	p0 =	sne.s32 s0, $0x1;
	[sflag:s3] =	ssyncadd.s32 $0xFFFFFE00  }
0xc8: {  	[tilespmem:s5], [sflag:$0x1] =	stream.indirect.gather [hbm4b:s4+s5], $0x80, s2, s5, $0xb8;
	[tilespmem:$0x10200] =	vst v63  }
.Ltmp0:
0xc9: {  	_ =	swait.ge [sflag:s6], $0x10000;
	(pc) =	sbr.rel @!p0 .LBB2_2-.Ltmp0, $4  }
0xca: {  	s1 =	sshll.u32 s1, $0x4;
	[sflag:s6] =	ssyncset.done $0x0;
	s31 =	rddreg [dreg:$0xa]  }
0xcb: {  	s31 =	sadd.s32 s31, s1;
	[sflag:s6] =	ssyncadd.s32 $0xFFFF0000  }
0xcc: {  	[hbm4b:s31+s2] =	stream.linear.scatter [tilespmem:s5], [sflag:$0x2], $0x10000, $0x38;
	[tilespmem:$0x10200] =	vst v63  }
0xcd: {  	s0 =	sadd.s32 $0xFFFFFFFF, s0;
	_ =	swait.ge [sflag:s3], $0x10000  }
.LBB2_1:
0xce: {  	[sflag:s3] =	ssyncset.done $0x0  }
0xcf: {  	s1 =	rddreg [dreg:$0x2];
	[sflag:s3] =	ssyncadd.s32 $0xFFFF0000  }
0xd0: {  	[tilespmem:s2], [sflag:$0x2] =	stream.linear.gather [hbm4b:s1+s2], $0x200, $0x38;
	[tilespmem:$0x10200] =	vst v63  }
0xd1: {  	_ =	swait.ge [sflag:s3], $0x200  }
0xd2: {  	[sflag:s3] =	ssyncset.done $0x0  }
0xd3: {  	[sflag:s3] =	ssyncadd.s32 $0xFFFFFE00  }
0xd4: {  	[tilespmem:s5], [sflag:$0x1] =	stream.indirect.gather [hbm4b:s4+s5], $0x80, s2, s5, $0xb8;
	[tilespmem:$0x10200] =	vst v63  }
0xd5: {  	_ =	swait.ge [sflag:s6], $0x10000  }
0xd6: {  	[sflag:s6] =	ssyncset.done $0x0  }
0xd7: {  	s1 =	rddreg [dreg:$0x3];
	[sflag:s6] =	ssyncadd.s32 $0xFFFF0000  }
0xd8: {  	[hbm4b:s1+s2] =	stream.linear.scatter [tilespmem:s5], [sflag:$0x2], $0x10000, $0x38;
	[tilespmem:$0x10200] =	vst v63  }
0xd9: {  	_ =	swait.ge [sflag:s3], $0x10000  }
0xda: {  	[sflag:s3] =	ssyncset.done $0x0  }
0xdb: {  	s1 =	rddreg [dreg:$0x4];
	[sflag:s3] =	ssyncadd.s32 $0xFFFF0000  }
0xdc: {  	[tilespmem:s2], [sflag:$0x2] =	stream.linear.gather [hbm4b:s1+s2], $0x200, $0x38;
	[tilespmem:$0x10200] =	vst v63  }
0xdd: {  	_ =	swait.ge [sflag:s3], $0x200  }
0xde: {  	[sflag:s3] =	ssyncset.done $0x0  }
0xdf: {  	[sflag:s3] =	ssyncadd.s32 $0xFFFFFE00  }
0xe0: {  	[tilespmem:s5], [sflag:$0x1] =	stream.indirect.gather [hbm4b:s4+s5], $0x80, s2, s5, $0xb8;
	[tilespmem:$0x10200] =	vst v63  }
0xe1: {  	_ =	swait.ge [sflag:s6], $0x10000  }
0xe2: {  	[sflag:s6] =	ssyncset.done $0x0  }
0xe3: {  	s1 =	rddreg [dreg:$0x5];
	[sflag:s6] =	ssyncadd.s32 $0xFFFF0000  }
0xe4: {  	[hbm4b:s1+s2] =	stream.linear.scatter [tilespmem:s5], [sflag:$0x2], $0x10000, $0x38;
	[tilespmem:$0x10200] =	vst v63  }
0xe5: {  	_ =	swait.ge [sflag:s3], $0x10000  }
0xe6: {  	[sflag:s3] =	ssyncset.done $0x0  }
0xe7: {  	s1 =	rddreg [dreg:$0x6];
	[sflag:s3] =	ssyncadd.s32 $0xFFFF0000  }
0xe8: {  	[tilespmem:s2], [sflag:$0x2] =	stream.linear.gather [hbm4b:s1+s2], $0x200, $0x38;
	[tilespmem:$0x10200] =	vst v63  }
0xe9: {  	_ =	swait.ge [sflag:s3], $0x200  }
0xea: {  	[sflag:s3] =	ssyncset.done $0x0  }
0xeb: {  	[sflag:s3] =	ssyncadd.s32 $0xFFFFFE00  }
0xec: {  	[tilespmem:s5], [sflag:$0x1] =	stream.indirect.gather [hbm4b:s4+s5], $0x80, s2, s5, $0xb8;
	[tilespmem:$0x10200] =	vst v63  }
0xed: {  	_ =	swait.ge [sflag:s6], $0x10000  }
0xee: {  	[sflag:s6] =	ssyncset.done $0x0  }
0xef: {  	s1 =	rddreg [dreg:$0x7];
	[sflag:s6] =	ssyncadd.s32 $0xFFFF0000  }
0xf0: {  	[hbm4b:s1+s2] =	stream.linear.scatter [tilespmem:s5], [sflag:$0x2], $0x10000, $0x38;
	[tilespmem:$0x10200] =	vst v63  }
0xf1: {  	_ =	swait.ge [sflag:s3], $0x10000  }
0xf2: {  	[sflag:s3] =	ssyncset.done $0x0  }
0xf3: {  	s1 =	rddreg [dreg:$0x8];
	[sflag:s3] =	ssyncadd.s32 $0xFFFF0000  }
0xf4: {  	[tilespmem:s2], [sflag:$0x2] =	stream.linear.gather [hbm4b:s1+s2], $0x200, $0x38;
	[tilespmem:$0x10200] =	vst v63  }
0xf5: {  	_ =	swait.ge [sflag:s3], $0x200  }
0xf6: {  	[sflag:s3] =	ssyncset.done $0x0  }
0xf7: {  	[sflag:s3] =	ssyncadd.s32 $0xFFFFFE00  }
0xf8: {  	[tilespmem:s5], [sflag:$0x1] =	stream.indirect.gather [hbm4b:s4+s5], $0x80, s2, s5, $0xb8;
	[tilespmem:$0x10200] =	vst v63  }
0xf9: {  	_ =	swait.ge [sflag:s6], $0x10000  }
0xfa: {  	[sflag:s6] =	ssyncset.done $0x0  }
0xfb: {  	s1 =	rddreg [dreg:$0x9];
	[sflag:s6] =	ssyncadd.s32 $0xFFFF0000  }
0xfc: {  	[hbm4b:s1+s2] =	stream.linear.scatter [tilespmem:s5], [sflag:$0x2], $0x10000, $0x38;
	[tilespmem:$0x10200] =	vst v63  }
0xfd: {  	_ =	swait.ge [sflag:s3], $0x10000  }
0xfe: {  	[sflag:s3] =	ssyncset.done $0x0  }
0xff: {  	[sflag:s3] =	ssyncadd.s32 $0xFFFF0000  }
0x100: {  	[tilespmem:s2], [sflag:$0x2] =	stream.linear.gather [hbm4b:s7+s2], $0x200, $0x38;
	[tilespmem:$0x10200] =	vst v63  }
0x101: {  	_ =	swait.ge [sflag:s3], $0x200  }
0x102: {  	[sflag:s3] =	ssyncset.done $0x0  }
0x103: {  	[sflag:s3] =	ssyncadd.s32 $0xFFFFFE00  }
0x104: {  	[tilespmem:s5], [sflag:$0x1] =	stream.indirect.gather [hbm4b:s4+s5], $0x80, s2, s5, $0xb8;
	[tilespmem:$0x10200] =	vst v63  }
0x105: {  	_ =	swait.ge [sflag:s6], $0x10000  }
0x106: {  	[sflag:s6] =	ssyncset.done $0x0  }
0x107: {  	[sflag:s6] =	ssyncadd.s32 $0xFFFF0000  }
0x108: {  	[hbm4b:s8+s2] =	stream.linear.scatter [tilespmem:s5], [sflag:$0x2], $0x10000, $0x38;
	[tilespmem:$0x10200] =	vst v63  }
0x109: {  	_ =	swait.ge [sflag:s3], $0x10000  }
0x10a: {  	[sflag:s3] =	ssyncset.done $0x0  }
0x10b: {  	[sflag:s3] =	ssyncadd.s32 $0xFFFF0000  }
0x10c: {  	[tilespmem:s2], [sflag:$0x2] =	stream.linear.gather [hbm4b:s9+s2], $0x200, $0x38;
	[tilespmem:$0x10200] =	vst v63  }
0x10d: {  	_ =	swait.ge [sflag:s3], $0x200  }
0x10e: {  	[sflag:s3] =	ssyncset.done $0x0  }
0x10f: {  	[sflag:s3] =	ssyncadd.s32 $0xFFFFFE00  }
0x110: {  	[tilespmem:s5], [sflag:$0x1] =	stream.indirect.gather [hbm4b:s4+s5], $0x80, s2, s5, $0xb8;
	[tilespmem:$0x10200] =	vst v63  }
0x111: {  	_ =	swait.ge [sflag:s6], $0x10000  }
0x112: {  	[sflag:s6] =	ssyncset.done $0x0  }
0x113: {  	[sflag:s6] =	ssyncadd.s32 $0xFFFF0000  }
0x114: {  	[hbm4b:s10+s2] =	stream.linear.scatter [tilespmem:s5], [sflag:$0x2], $0x10000, $0x38;
	[tilespmem:$0x10200] =	vst v63  }
0x115: {  	_ =	swait.ge [sflag:s3], $0x10000  }
0x116: {  	[sflag:s3] =	ssyncset.done $0x0  }
0x117: {  	[sflag:s3] =	ssyncadd.s32 $0xFFFF0000  }
0x118: {  	[tilespmem:s2], [sflag:$0x2] =	stream.linear.gather [hbm4b:s11+s2], $0x200, $0x38;
	[tilespmem:$0x10200] =	vst v63  }
0x119: {  	_ =	swait.ge [sflag:s3], $0x200  }
0x11a: {  	[sflag:s3] =	ssyncset.done $0x0  }
0x11b: {  	[sflag:s3] =	ssyncadd.s32 $0xFFFFFE00  }
0x11c: {  	[tilespmem:s5], [sflag:$0x1] =	stream.indirect.gather [hbm4b:s4+s5], $0x80, s2, s5, $0xb8;
	[tilespmem:$0x10200] =	vst v63  }
0x11d: {  	_ =	swait.ge [sflag:s6], $0x10000  }
0x11e: {  	[sflag:s6] =	ssyncset.done $0x0  }
0x11f: {  	[sflag:s6] =	ssyncadd.s32 $0xFFFF0000  }
0x120: {  	[hbm4b:s12+s2] =	stream.linear.scatter [tilespmem:s5], [sflag:$0x2], $0x10000, $0x38;
	[tilespmem:$0x10200] =	vst v63  }
0x121: {  	_ =	swait.ge [sflag:s3], $0x10000  }
0x122: {  	[sflag:s3] =	ssyncset.done $0x0  }
0x123: {  	[sflag:s3] =	ssyncadd.s32 $0xFFFF0000  }
0x124: {  	[tilespmem:s2], [sflag:$0x2] =	stream.linear.gather [hbm4b:s13+s2], $0x200, $0x38;
	[tilespmem:$0x10200] =	vst v63  }
0x125: {  	_ =	swait.ge [sflag:s3], $0x200  }
0x126: {  	[sflag:s3] =	ssyncset.done $0x0  }
0x127: {  	[sflag:s3] =	ssyncadd.s32 $0xFFFFFE00  }
0x128: {  	[tilespmem:s5], [sflag:$0x1] =	stream.indirect.gather [hbm4b:s4+s5], $0x80, s2, s5, $0xb8;
	[tilespmem:$0x10200] =	vst v63  }
0x129: {  	_ =	swait.ge [sflag:s6], $0x10000  }
0x12a: {  	[sflag:s6] =	ssyncset.done $0x0  }
0x12b: {  	[sflag:s6] =	ssyncadd.s32 $0xFFFF0000  }
0x12c: {  	[hbm4b:s14+s2] =	stream.linear.scatter [tilespmem:s5], [sflag:$0x2], $0x10000, $0x38;
	[tilespmem:$0x10200] =	vst v63  }
0x12d: {  	_ =	swait.ge [sflag:s3], $0x10000  }
0x12e: {  	[sflag:s3] =	ssyncset.done $0x0  }
0x12f: {  	[sflag:s3] =	ssyncadd.s32 $0xFFFF0000  }
0x130: {  	[tilespmem:s2], [sflag:$0x2] =	stream.linear.gather [hbm4b:s15+s2], $0x200, $0x38;
	[tilespmem:$0x10200] =	vst v63  }
0x131: {  	_ =	swait.ge [sflag:s3], $0x200  }
0x132: {  	[sflag:s3] =	ssyncset.done $0x0  }
0x133: {  	[sflag:s3] =	ssyncadd.s32 $0xFFFFFE00  }
0x134: {  	[tilespmem:s5], [sflag:$0x1] =	stream.indirect.gather [hbm4b:s4+s5], $0x80, s2, s5, $0xb8;
	[tilespmem:$0x10200] =	vst v63  }
0x135: {  	_ =	swait.ge [sflag:s6], $0x10000  }
0x136: {  	[sflag:s6] =	ssyncset.done $0x0  }
0x137: {  	[sflag:s6] =	ssyncadd.s32 $0xFFFF0000  }
0x138: {  	[hbm4b:s16+s2] =	stream.linear.scatter [tilespmem:s5], [sflag:$0x2], $0x10000, $0x38;
	[tilespmem:$0x10200] =	vst v63  }
0x139: {  	_ =	swait.ge [sflag:s3], $0x10000  }
0x13a: {  	[sflag:s3] =	ssyncset.done $0x0  }
0x13b: {  	[sflag:s3] =	ssyncadd.s32 $0xFFFF0000  }
0x13c: {  	[tilespmem:s2], [sflag:$0x2] =	stream.linear.gather [hbm4b:s17+s2], $0x200, $0x38;
	[tilespmem:$0x10200] =	vst v63  }
0x13d: {  	_ =	swait.ge [sflag:s3], $0x200  }
0x13e: {  	[sflag:s3] =	ssyncset.done $0x0  }
0x13f: {  	[sflag:s3] =	ssyncadd.s32 $0xFFFFFE00  }
0x140: {  	[tilespmem:s5], [sflag:$0x1] =	stream.indirect.gather [hbm4b:s4+s5], $0x80, s2, s5, $0xb8;
	[tilespmem:$0x10200] =	vst v63  }
0x141: {  	_ =	swait.ge [sflag:s6], $0x10000  }
0x142: {  	[sflag:s6] =	ssyncset.done $0x0  }
0x143: {  	[sflag:s6] =	ssyncadd.s32 $0xFFFF0000  }
0x144: {  	[hbm4b:s18+s2] =	stream.linear.scatter [tilespmem:s5], [sflag:$0x2], $0x10000, $0x38;
	[tilespmem:$0x10200] =	vst v63  }
0x145: {  	_ =	swait.ge [sflag:s3], $0x10000  }
0x146: {  	[sflag:s3] =	ssyncset.done $0x0  }
0x147: {  	[sflag:s3] =	ssyncadd.s32 $0xFFFF0000  }
0x148: {  	[tilespmem:s2], [sflag:$0x2] =	stream.linear.gather [hbm4b:s19+s2], $0x200, $0x38;
	[tilespmem:$0x10200] =	vst v63  }
0x149: {  	_ =	swait.ge [sflag:s3], $0x200  }
0x14a: {  	[sflag:s3] =	ssyncset.done $0x0  }
0x14b: {  	[sflag:s3] =	ssyncadd.s32 $0xFFFFFE00  }
0x14c: {  	[tilespmem:s5], [sflag:$0x1] =	stream.indirect.gather [hbm4b:s4+s5], $0x80, s2, s5, $0xb8;
	[tilespmem:$0x10200] =	vst v63  }
0x14d: {  	_ =	swait.ge [sflag:s6], $0x10000  }
0x14e: {  	[sflag:s6] =	ssyncset.done $0x0  }
0x14f: {  	[sflag:s6] =	ssyncadd.s32 $0xFFFF0000  }
0x150: {  	[hbm4b:s20+s2] =	stream.linear.scatter [tilespmem:s5], [sflag:$0x2], $0x10000, $0x38;
	[tilespmem:$0x10200] =	vst v63  }
0x151: {  	_ =	swait.ge [sflag:s3], $0x10000  }
0x152: {  	[sflag:s3] =	ssyncset.done $0x0  }
0x153: {  	[sflag:s3] =	ssyncadd.s32 $0xFFFF0000  }
0x154: {  	[tilespmem:s2], [sflag:$0x2] =	stream.linear.gather [hbm4b:s21+s2], $0x200, $0x38;
	[tilespmem:$0x10200] =	vst v63  }
0x155: {  	_ =	swait.ge [sflag:s3], $0x200  }
0x156: {  	[sflag:s3] =	ssyncset.done $0x0  }
0x157: {  	[sflag:s3] =	ssyncadd.s32 $0xFFFFFE00  }
0x158: {  	[tilespmem:s5], [sflag:$0x1] =	stream.indirect.gather [hbm4b:s4+s5], $0x80, s2, s5, $0xb8;
	[tilespmem:$0x10200] =	vst v63  }
0x159: {  	_ =	swait.ge [sflag:s6], $0x10000  }
0x15a: {  	[sflag:s6] =	ssyncset.done $0x0  }
0x15b: {  	[sflag:s6] =	ssyncadd.s32 $0xFFFF0000  }
0x15c: {  	[hbm4b:s22+s2] =	stream.linear.scatter [tilespmem:s5], [sflag:$0x2], $0x10000, $0x38;
	[tilespmem:$0x10200] =	vst v63  }
0x15d: {  	_ =	swait.ge [sflag:s3], $0x10000  }
0x15e: {  	[sflag:s3] =	ssyncset.done $0x0  }
0x15f: {  	[sflag:s3] =	ssyncadd.s32 $0xFFFF0000  }
0x160: {  	[tilespmem:s2], [sflag:$0x2] =	stream.linear.gather [hbm4b:s23+s2], $0x200, $0x38;
	[tilespmem:$0x10200] =	vst v63  }
0x161: {  	_ =	swait.ge [sflag:s3], $0x200  }
0x162: {  	[sflag:s3] =	ssyncset.done $0x0  }
0x163: {  	[sflag:s3] =	ssyncadd.s32 $0xFFFFFE00  }
0x164: {  	[tilespmem:s5], [sflag:$0x1] =	stream.indirect.gather [hbm4b:s4+s5], $0x80, s2, s5, $0xb8;
	[tilespmem:$0x10200] =	vst v63  }
0x165: {  	_ =	swait.ge [sflag:s6], $0x10000  }
0x166: {  	[sflag:s6] =	ssyncset.done $0x0  }
0x167: {  	[sflag:s6] =	ssyncadd.s32 $0xFFFF0000  }
0x168: {  	[hbm4b:s24+s2] =	stream.linear.scatter [tilespmem:s5], [sflag:$0x2], $0x10000, $0x38;
	[tilespmem:$0x10200] =	vst v63  }
0x169: {  	_ =	swait.ge [sflag:s3], $0x10000  }
0x16a: {  	[sflag:s3] =	ssyncset.done $0x0  }
0x16b: {  	[sflag:s3] =	ssyncadd.s32 $0xFFFF0000  }
0x16c: {  	[tilespmem:s2], [sflag:$0x2] =	stream.linear.gather [hbm4b:s25+s2], $0x200, $0x38;
	[tilespmem:$0x10200] =	vst v63  }
0x16d: {  	_ =	swait.ge [sflag:s3], $0x200  }
0x16e: {  	[sflag:s3] =	ssyncset.done $0x0  }
0x16f: {  	[sflag:s3] =	ssyncadd.s32 $0xFFFFFE00  }
0x170: {  	[tilespmem:s5], [sflag:$0x1] =	stream.indirect.gather [hbm4b:s4+s5], $0x80, s2, s5, $0xb8;
	[tilespmem:$0x10200] =	vst v63  }
0x171: {  	_ =	swait.ge [sflag:s6], $0x10000  }
0x172: {  	[sflag:s6] =	ssyncset.done $0x0  }
0x173: {  	[sflag:s6] =	ssyncadd.s32 $0xFFFF0000  }
0x174: {  	[hbm4b:s26+s2] =	stream.linear.scatter [tilespmem:s5], [sflag:$0x2], $0x10000, $0x38;
	[tilespmem:$0x10200] =	vst v63  }
0x175: {  	_ =	swait.ge [sflag:s3], $0x10000  }
0x176: {  	[sflag:s3] =	ssyncset.done $0x0  }
0x177: {  	[sflag:s3] =	ssyncadd.s32 $0xFFFF0000  }
0x178: {  	[tilespmem:s2], [sflag:$0x2] =	stream.linear.gather [hbm4b:s28+s2], $0x200, $0x38;
	[tilespmem:$0x10200] =	vst v63  }
0x179: {  	_ =	swait.ge [sflag:s3], $0x200  }
0x17a: {  	[sflag:s3] =	ssyncset.done $0x0  }
0x17b: {  	[sflag:s3] =	ssyncadd.s32 $0xFFFFFE00  }
0x17c: {  	[tilespmem:s5], [sflag:$0x1] =	stream.indirect.gather [hbm4b:s4+s5], $0x80, s2, s5, $0xb8;
	[tilespmem:$0x10200] =	vst v63  }
0x17d: {  	_ =	swait.ge [sflag:s6], $0x10000  }
0x17e: {  	[sflag:s6] =	ssyncset.done $0x0  }
0x17f: {  	[sflag:s6] =	ssyncadd.s32 $0xFFFF0000  }
0x180: {  	[hbm4b:s29+s2] =	stream.linear.scatter [tilespmem:s5], [sflag:$0x2], $0x10000, $0x38;
	[tilespmem:$0x10200] =	vst v63  }
0x181: {  	_ =	swait.ge [sflag:s3], $0x10000  }
0x182: {  	[sflag:s3] =	ssyncset.done $0x0  }
0x183: {  	[sflag:s3] =	ssyncadd.s32 $0xFFFF0000  }
0x184: {  	[tilespmem:s2], [sflag:$0x2] =	stream.linear.gather [hbm4b:s30+s2], $0x200, $0x38;
	[tilespmem:$0x10200] =	vst v63  }
0x185: {  	_ =	swait.ge [sflag:s3], $0x200  }
0x186: {  	[sflag:s3] =	ssyncset.done $0x0  }
0x187: {  	p0 =	sne.s32 s0, $0x1;
	[sflag:s3] =	ssyncadd.s32 $0xFFFFFE00  }
0x188: {  	[tilespmem:s5], [sflag:$0x1] =	stream.indirect.gather [hbm4b:s4+s5], $0x80, s2, s5, $0xb8;
	[tilespmem:$0x10200] =	vst v63  }
.Ltmp1:
0x189: {  	_ =	swait.ge [sflag:s6], $0x10000;
	(pc) =	sbr.rel @p0 .LBB2_1-.Ltmp1, $4  }
0x18a: {  	[sflag:s6] =	ssyncset.done $0x0  }
0x18b: {  	[sflag:s6] =	ssyncadd.s32 $0xFFFF0000  }
0x18c: {  	[hbm4b:s31+s2] =	stream.linear.scatter [tilespmem:s5], [sflag:$0x2], $0x10000, $0x38;
	[tilespmem:$0x10200] =	vst v63  }
0x18d: {  	s0 =	sadd.s32 $0xFFFFFFFF, s0;
	_ =	swait.ge [sflag:s3], $0x10000  }
.LBB2_2:
0x18e: {  	[sflag:s3] =	ssyncset.done $0x0  }
0x18f: {  	[sflag:s3] =	ssyncadd.s32 $0xFFFF0000  }
0x190: {  	_ =	sfence.sel $0x180000  }
0x191: {  	[bflag:$0x0] =	sbarrier.arrive $0xFFFF  }
0x192: {  	_ =	strace $0x90000047  }
0x193: {  	s0 =	stileid.u32;
	[bflag:$0x2] =	sbarrier.arrive $0xFFFF  }
0x194: {  	p0 =	sne.s32 s0, $0x0;
	s0 =	rddreg [dreg:$0x1]  }
0x195: {  	s0 =	sadd.s32 @!p0 $0x100000, s0  }
0x196: {  	[sflag:s0] =	ssyncadd.tile.s32 @!p0 $0x1;
	_ =	shalt  }
.Lfunc_end2:
_tile_overlayer_lowered:
.L_overlay_start_2:
0x197: {  	(tag) =	ssettag $0x2  }
0x198: {  	s0 =	rddreg [dreg:$0x0];
	s2 =	stileid.u32  }
0x199: {  	s1 =	rddreg [dreg:$0x1];
	p0 =	sne.s32 s2, $0x0  }
0x19a: {  	s3 =	rddreg [dreg:$0x2];
	[bflag:$0x3] =	sbarrier.arrive $0xFFFF;
	s2 =	simm.s32 @!p0 $0x1C02  }
0x19b: {  	[timem:s3], [sflag:s2] =	dma.local @!p0 [hbm:s0], s1  }
0x19c: {  	s0 =	simm.s32 @!p0 $0x2  }
0x19d: {  	_ =	swait.ge @!p0 [sflag:s0], s1  }
0x19e: {  	s1 =	ssub.s32 @!p0 $0x0, s1;
	[sflag:s0] =	ssyncset.done @!p0 $0x0  }
0x19f: {  	[sflag:s0] =	ssyncadd.s32 @!p0 s1  }
0x1a0: {  	[bflag:$0x3] =	sbarrier.arrive $0xFFFF  }
0x1a1: {  	_ =	shalt  }

</sc_bundles>
